<compile_context>
chip_gen: v7x
topology: tpu7x:2x2x1
jax: 0.10.2.dev20260603
libtpu: 0.0.44.dev20260713+nightly
codegen_flags: <defaults>
</compile_context>

<pallas_src>
import functools

import jax
import jax.numpy as jnp
from jax import lax
from jax.experimental import pallas as pl
from jax.experimental.pallas import tpu as pltpu
from jax.experimental.pallas import tpu_sc as plsc

N, H, W = 4, 512, 512
HW = H * W
P_TOTAL = N * HW
NW = 32
PPW = P_TOTAL // NW
CH = 1024
ROUNDS = PPW // CH
SUB = 128
NPLANE = 6
NDESC = NPLANE * CH // SUB
_T0 = 2048 * 2048
_T2 = 1024 * 1024
TABLE_WORDS = (2 * _T0 + 2 * _T2) * 3


def _addr_body(refs, i):
    (xv, yv, tv, idxv, wxv, wyv) = refs
    sl = pl.ds(i * 16, 16)
    x = xv[sl]
    y = yv[sl]
    t = tv[sl]
    shift = t >> 1
    wm1f = jnp.where(shift == 0, 2047.0, 1023.0).astype(jnp.float32)
    ixf = jnp.clip((x + 1.0) * 0.5 * wm1f, 0.0, wm1f)
    iyf = jnp.clip((y + 1.0) * 0.5 * wm1f, 0.0, wm1f)
    ix0 = ixf.astype(jnp.int32)
    iy0 = iyf.astype(jnp.int32)
    wxv[sl] = ixf - ix0.astype(jnp.float32)
    wyv[sl] = iyf - iy0.astype(jnp.float32)
    wm1i = jnp.where(shift == 0, 2047, 1023).astype(jnp.int32)
    iy1 = jnp.minimum(iy0 + 1, wm1i)
    logw = 11 - shift
    base = t * (3 * _T0) - jnp.where(t == 3, 3 * (_T0 - _T2), 0).astype(jnp.int32)
    coff = jnp.where(shift == 0, _T0, _T2).astype(jnp.int32)
    f0 = base + (iy0 << logw) + ix0
    f1 = base + (iy1 << logw) + ix0
    for c in range(3):
        idxv[pl.ds(c * CH + i * 16, 16)] = f0 + c * coff
        idxv[pl.ds((3 + c) * CH + i * 16, 16)] = f1 + c * coff
    return 0


def _blend_body(refs, i):
    (valv, wxv, wyv, o0, o1, o2) = refs
    sl = pl.ds(i * 16, 16)
    wx = wxv[sl]
    wy = wyv[sl]
    outs = (o0, o1, o2)
    himask = jnp.uint32(0xFFFF0000)
    for c in range(3):
        u0 = valv[pl.ds(c * CH + i * 16, 16)]
        u1 = valv[pl.ds((3 + c) * CH + i * 16, 16)]
        v00 = lax.bitcast_convert_type(u0 << 16, jnp.float32)
        v01 = lax.bitcast_convert_type(u0 & himask, jnp.float32)
        v10 = lax.bitcast_convert_type(u1 << 16, jnp.float32)
        v11 = lax.bitcast_convert_type(u1 & himask, jnp.float32)
        a = v00 + wx * (v01 - v00)
        b = v10 + wx * (v11 - v10)
        outs[c][sl] = a + wy * (b - a)
    return 0


def _mt_body(xs, ys, tid, table, out,
             xv, yv, tv,
             wxA, wyA, idxA, valA,
             wxB, wyB, idxB, valB,
             o0, o1, o2, semA, semB):
    wid = lax.axis_index("s") * 2 + lax.axis_index("c")
    n_img = wid // (NW // N)
    qbase = wid * PPW - n_img * HW
    obase = n_img * (3 * HW)

    def stage(rnd, idxv, valv, wxv, wyv, sem):
        p0 = wid * PPW + rnd * CH
        pltpu.sync_copy(xs.at[pl.ds(p0, CH)], xv)
        pltpu.sync_copy(ys.at[pl.ds(p0, CH)], yv)
        pltpu.sync_copy(tid.at[pl.ds(p0, CH)], tv)
        lax.fori_loop(
            0, CH // 16,
            lambda i, _: _addr_body((xv, yv, tv, idxv, wxv, wyv), i),
            0)

        def fire(k, _):
            s = pl.ds(k * SUB, SUB)
            pltpu.async_copy(table.at[idxv.at[s]], valv.at[s], sem)
            return 0

        lax.fori_loop(0, NDESC, fire, 0)

    def drain_blend(rnd, valv, wxv, wyv, sem):
        pltpu.make_async_copy(table.at[pl.ds(0, NPLANE * CH)], valv, sem).wait()
        lax.fori_loop(
            0, CH // 16,
            lambda i, _: _blend_body((valv, wxv, wyv, o0, o1, o2), i),
            0)
        q = qbase + rnd * CH
        pltpu.sync_copy(o0, out.at[pl.ds(obase + q, CH)])
        pltpu.sync_copy(o1, out.at[pl.ds(obase + HW + q, CH)])
        pltpu.sync_copy(o2, out.at[pl.ds(obase + 2 * HW + q, CH)])

    stage(0, idxA, valA, wxA, wyA, semA)

    def super_body(j, _):
        r0 = 2 * j
        stage(r0 + 1, idxB, valB, wxB, wyB, semB)
        drain_blend(r0, valA, wxA, wyA, semA)

        @pl.when(j < ROUNDS // 2 - 1)
        def _():
            stage(r0 + 2, idxA, valA, wxA, wyA, semA)

        drain_blend(r0 + 1, valB, wxB, wyB, semB)
        return 0

    lax.fori_loop(0, ROUNDS // 2, super_body, 0)


_mt_kernel = functools.partial(
    pl.kernel,
    mesh=plsc.VectorSubcoreMesh(core_axis_name="c", subcore_axis_name="s"),
    out_type=jax.ShapeDtypeStruct((N * 3 * HW,), jnp.float32),
    scratch_types=[
        pltpu.VMEM((CH,), jnp.float32),
        pltpu.VMEM((CH,), jnp.float32),
        pltpu.VMEM((CH,), jnp.int32),
        pltpu.VMEM((CH,), jnp.float32),
        pltpu.VMEM((CH,), jnp.float32),
        pltpu.VMEM((NPLANE * CH,), jnp.int32),
        pltpu.VMEM((NPLANE * CH,), jnp.uint32),
        pltpu.VMEM((CH,), jnp.float32),
        pltpu.VMEM((CH,), jnp.float32),
        pltpu.VMEM((NPLANE * CH,), jnp.int32),
        pltpu.VMEM((NPLANE * CH,), jnp.uint32),
        pltpu.VMEM((CH,), jnp.float32),
        pltpu.VMEM((CH,), jnp.float32),
        pltpu.VMEM((CH,), jnp.float32),
        pltpu.SemaphoreType.DMA,
        pltpu.SemaphoreType.DMA,
    ],
)(_mt_body)


def kernel(uv_coords, uv_idcs, tex0, tex1, tex2, tex3):
    xs = uv_coords[..., 0].reshape(-1)
    ys = uv_coords[..., 1].reshape(-1)
    tid = uv_idcs.reshape(-1).astype(jnp.int32)
    b = jnp.concatenate([t.reshape(-1).astype(jnp.bfloat16)
                         for t in (tex0, tex1, tex2, tex3)])
    bn = jnp.concatenate([b[1:], b[:1]])
    lo = jax.lax.bitcast_convert_type(b, jnp.uint16).astype(jnp.uint32)
    hi = jax.lax.bitcast_convert_type(bn, jnp.uint16).astype(jnp.uint32)
    table = lo | (hi << 16)
    out = _mt_kernel(xs, ys, tid, table)
    return out.reshape(N, 3, H, W)

# --- scband reference (transcript-rebuilt; emitter-appended) ---
"""Pipeline reference for scband-multi-texture-44100724195587 (READ-ONLY COPY).

The authoritative reference and input builder live on the scoring server;
editing this copy changes nothing except your own understanding.
"""

import jax, jax.numpy as jnp
import numpy as np


def _grid_sample_border(tex, coords):
    # tex: [C, Hm, Wm], coords: [P, 2] with (x, y) in [-1, 1], align_corners=True, border padding
    C, Hm, Wm = tex.shape
    x = coords[:, 0]
    y = coords[:, 1]
    ix = (x + 1.0) * 0.5 * (Wm - 1)
    iy = (y + 1.0) * 0.5 * (Hm - 1)
    ix = jnp.clip(ix, 0.0, Wm - 1)
    iy = jnp.clip(iy, 0.0, Hm - 1)
    ix0f = jnp.floor(ix)
    iy0f = jnp.floor(iy)
    wx = (ix - ix0f)[:, None]
    wy = (iy - iy0f)[:, None]
    ix0 = jnp.clip(ix0f.astype(jnp.int32), 0, Wm - 1)
    iy0 = jnp.clip(iy0f.astype(jnp.int32), 0, Hm - 1)
    ix1 = jnp.clip(ix0 + 1, 0, Wm - 1)
    iy1 = jnp.clip(iy0 + 1, 0, Hm - 1)
    t = jnp.transpose(tex, (1, 2, 0))  # [Hm, Wm, C]
    v00 = t[iy0, ix0]
    v01 = t[iy0, ix1]
    v10 = t[iy1, ix0]
    v11 = t[iy1, ix1]
    return (v00 * (1.0 - wx) * (1.0 - wy) + v01 * wx * (1.0 - wy)
            + v10 * (1.0 - wx) * wy + v11 * wx * wy)


def setup_inputs(seed: int = 0) -> dict:
    key = jax.random.key(seed)
    k_uv, k_idx, k0, k1, k2, k3 = jax.random.split(key, 6)
    N, H, W = 4, 512, 512
    uv_coords = jax.random.uniform(k_uv, (N, H, W, 2), dtype=jnp.float32, minval=-1.0, maxval=1.0)
    uv_idcs = jax.random.randint(k_idx, (N, H, W), 0, 4, dtype=jnp.int64)
    tex0 = jax.random.normal(k0, (3, 2048, 2048), dtype=jnp.float32)
    tex1 = jax.random.normal(k1, (3, 2048, 2048), dtype=jnp.float32)
    tex2 = jax.random.normal(k2, (3, 1024, 1024), dtype=jnp.float32)
    tex3 = jax.random.normal(k3, (3, 1024, 1024), dtype=jnp.float32)
    return {"uv_coords": uv_coords, "uv_idcs": uv_idcs,
            "tex0": tex0, "tex1": tex1, "tex2": tex2, "tex3": tex3}


def reference(uv_coords, uv_idcs, tex0, tex1, tex2, tex3):
    N, H, W, _ = uv_coords.shape
    C = tex0.shape[0]
    coords = uv_coords.reshape(-1, 2)
    idcs = uv_idcs.reshape(-1)
    ret = jnp.zeros((N * H * W, C), dtype=uv_coords.dtype)
    for i, tex in enumerate([tex0, tex1, tex2, tex3]):
        sampled = _grid_sample_border(tex, coords)
        mask = (idcs == i)[:, None]
        ret = jnp.where(mask, sampled, ret)
    ret = ret.reshape(N, H, W, C)
    return jnp.transpose(ret, (0, 3, 1, 2))

if __name__ == "__main__":
    import jax
    _d = setup_inputs()
    print(jax.jit(kernel)(*tuple(_d.values())))

</pallas_src>

<mosaic_0001>
#map = affine_map<(d0, d1) -> (0)>
module attributes {stable_mosaic.version = 14 : i64} {
  func.func @_mt_body(%arg0: i32, %arg1: i32, %arg2: memref<1048576xf32, #tpu.memory_space<hbm>>, %arg3: memref<1048576xf32, #tpu.memory_space<hbm>>, %arg4: memref<1048576xi32, #tpu.memory_space<hbm>>, %arg5: memref<31457280xi32, #tpu.memory_space<hbm>>, %arg6: memref<3145728xf32, #tpu.memory_space<hbm>>, %arg7: memref<1024xf32, #tpu.memory_space<vmem>>, %arg8: memref<1024xf32, #tpu.memory_space<vmem>>, %arg9: memref<1024xi32, #tpu.memory_space<vmem>>, %arg10: memref<1024xf32, #tpu.memory_space<vmem>>, %arg11: memref<1024xf32, #tpu.memory_space<vmem>>, %arg12: memref<6144xi32, #tpu.memory_space<vmem>>, %arg13: memref<6144xi32, #tpu.memory_space<vmem>>, %arg14: memref<1024xf32, #tpu.memory_space<vmem>>, %arg15: memref<1024xf32, #tpu.memory_space<vmem>>, %arg16: memref<6144xi32, #tpu.memory_space<vmem>>, %arg17: memref<6144xi32, #tpu.memory_space<vmem>>, %arg18: memref<1024xf32, #tpu.memory_space<vmem>>, %arg19: memref<1024xf32, #tpu.memory_space<vmem>>, %arg20: memref<1024xf32, #tpu.memory_space<vmem>>, %arg21: memref<!tpu.dma_semaphore, #tpu.memory_space<semaphore_mem>>, %arg22: memref<!tpu.dma_semaphore, #tpu.memory_space<semaphore_mem>>) attributes {dimension_semantics = [#tpu.dimension_semantics<core_parallel>, #tpu.dimension_semantics<subcore_parallel>], iteration_bounds = array<i64: 2, 16>, scalar_prefetch = 0 : i64, scratch_operands = 16 : i64, tpu.core_type = #tpu.core_type<sc_vector_subcore>, window_params = [{transform_indices = #map}, {transform_indices = #map}, {transform_indices = #map}, {transform_indices = #map}, {transform_indices = #map}]} {
    %mul3A = arith.constant 2 : i32
    %mul3A_0 = arith.muli %arg1, %mul3A : i32
    %add3A = arith.addi %mul3A_0, %arg0 : i32
    %jit3A = arith.constant 8 : i32
    %div3A = arith.divsi %add3A, %jit3A : i32
    %sign3A = arith.constant 0 : i32
    %sign3A_1 = arith.cmpi sgt, %add3A, %sign3A : i32
    %sign3A_2 = arith.extui %sign3A_1 : i1 to i32
    %sign3A_3 = arith.constant 0 : i32
    %sign3A_4 = arith.cmpi slt, %add3A, %sign3A_3 : i32
    %sign3A_5 = arith.extui %sign3A_4 : i1 to i32
    %sign3A_6 = arith.subi %sign3A_2, %sign3A_5 : i32
    %sign3A_7 = arith.constant 0 : i32
    %sign3A_8 = arith.cmpi sgt, %jit3A, %sign3A_7 : i32
    %sign3A_9 = arith.extui %sign3A_8 : i1 to i32
    %sign3A_10 = arith.constant 0 : i32
    %sign3A_11 = arith.cmpi slt, %jit3A, %sign3A_10 : i32
    %sign3A_12 = arith.extui %sign3A_11 : i1 to i32
    %sign3A_13 = arith.subi %sign3A_9, %sign3A_12 : i32
    %ne3A = arith.cmpi ne, %sign3A_6, %sign3A_13 : i32
    %rem3A = arith.remsi %add3A, %jit3A : i32
    %ne3A_14 = arith.constant 0 : i32
    %ne3A_15 = arith.cmpi ne, %rem3A, %ne3A_14 : i32
    %and3A = arith.andi %ne3A, %ne3A_15 : i1
    %sub3A = arith.constant 1 : i32
    %sub3A_16 = arith.subi %div3A, %sub3A : i32
    %select_n3A = arith.select %and3A, %sub3A_16, %div3A : i32
    %mul3A_17 = arith.constant 32768 : i32
    %mul3A_18 = arith.muli %add3A, %mul3A_17 : i32
    %mul3A_19 = arith.constant 262144 : i32
    %mul3A_20 = arith.muli %select_n3A, %mul3A_19 : i32
    %sub3A_21 = arith.subi %mul3A_18, %mul3A_20 : i32
    %mul3A_22 = arith.constant 786432 : i32
    %mul3A_23 = arith.muli %select_n3A, %mul3A_22 : i32
    %mul3A_24 = arith.constant 32768 : i32
    %mul3A_25 = arith.muli %add3A, %mul3A_24 : i32
    %add3A_26 = arith.constant 0 : i32
    %add3A_27 = arith.addi %mul3A_25, %add3A_26 : i32
    "tpu.region"() ({
      %run_scoped3A = tpu.sem_alloc : memref<!tpu.dma_semaphore, #tpu.memory_space<semaphore_mem>>
      %dma_start3A = tpu.memref_slice %arg2[%add3A_27] : memref<1048576xf32, #tpu.memory_space<hbm>> -> memref<1024xf32, #tpu.memory_space<hbm>>
      %dma_start3A_48 = tpu.memref_slice %arg2[%add3A_27] : memref<1048576xf32, #tpu.memory_space<hbm>> -> memref<1024xf32, #tpu.memory_space<hbm>>
      tpu.enqueue_dma source(%dma_start3A_48 : memref<1024xf32, #tpu.memory_space<hbm>>) target(%arg7 : memref<1024xf32, #tpu.memory_space<vmem>>) target_semaphore(%run_scoped3A : memref<!tpu.dma_semaphore, #tpu.memory_space<semaphore_mem>>)
      %dma_wait3A = tpu.memref_slice %arg2[%add3A_27] : memref<1048576xf32, #tpu.memory_space<hbm>> -> memref<1024xf32, #tpu.memory_space<hbm>>
      %dma_wait3A_49 = tpu.memref_slice %arg2[%add3A_27] : memref<1048576xf32, #tpu.memory_space<hbm>> -> memref<1024xf32, #tpu.memory_space<hbm>>
      tpu.wait_dma2 semaphore(%run_scoped3A : memref<!tpu.dma_semaphore, #tpu.memory_space<semaphore_mem>>) src(%dma_wait3A_49 : memref<1024xf32, #tpu.memory_space<hbm>>) dst(%arg7 : memref<1024xf32, #tpu.memory_space<vmem>>)
      tpu.yield
    }) : () -> ()
    "tpu.region"() ({
      %run_scoped3A = tpu.sem_alloc : memref<!tpu.dma_semaphore, #tpu.memory_space<semaphore_mem>>
      %dma_start3A = tpu.memref_slice %arg3[%add3A_27] : memref<1048576xf32, #tpu.memory_space<hbm>> -> memref<1024xf32, #tpu.memory_space<hbm>>
      %dma_start3A_48 = tpu.memref_slice %arg3[%add3A_27] : memref<1048576xf32, #tpu.memory_space<hbm>> -> memref<1024xf32, #tpu.memory_space<hbm>>
      tpu.enqueue_dma source(%dma_start3A_48 : memref<1024xf32, #tpu.memory_space<hbm>>) target(%arg8 : memref<1024xf32, #tpu.memory_space<vmem>>) target_semaphore(%run_scoped3A : memref<!tpu.dma_semaphore, #tpu.memory_space<semaphore_mem>>)
      %dma_wait3A = tpu.memref_slice %arg3[%add3A_27] : memref<1048576xf32, #tpu.memory_space<hbm>> -> memref<1024xf32, #tpu.memory_space<hbm>>
      %dma_wait3A_49 = tpu.memref_slice %arg3[%add3A_27] : memref<1048576xf32, #tpu.memory_space<hbm>> -> memref<1024xf32, #tpu.memory_space<hbm>>
      tpu.wait_dma2 semaphore(%run_scoped3A : memref<!tpu.dma_semaphore, #tpu.memory_space<semaphore_mem>>) src(%dma_wait3A_49 : memref<1024xf32, #tpu.memory_space<hbm>>) dst(%arg8 : memref<1024xf32, #tpu.memory_space<vmem>>)
      tpu.yield
    }) : () -> ()
    "tpu.region"() ({
      %run_scoped3A = tpu.sem_alloc : memref<!tpu.dma_semaphore, #tpu.memory_space<semaphore_mem>>
      %dma_start3A = tpu.memref_slice %arg4[%add3A_27] : memref<1048576xi32, #tpu.memory_space<hbm>> -> memref<1024xi32, #tpu.memory_space<hbm>>
      %dma_start3A_48 = tpu.memref_slice %arg4[%add3A_27] : memref<1048576xi32, #tpu.memory_space<hbm>> -> memref<1024xi32, #tpu.memory_space<hbm>>
      tpu.enqueue_dma source(%dma_start3A_48 : memref<1024xi32, #tpu.memory_space<hbm>>) target(%arg9 : memref<1024xi32, #tpu.memory_space<vmem>>) target_semaphore(%run_scoped3A : memref<!tpu.dma_semaphore, #tpu.memory_space<semaphore_mem>>)
      %dma_wait3A = tpu.memref_slice %arg4[%add3A_27] : memref<1048576xi32, #tpu.memory_space<hbm>> -> memref<1024xi32, #tpu.memory_space<hbm>>
      %dma_wait3A_49 = tpu.memref_slice %arg4[%add3A_27] : memref<1048576xi32, #tpu.memory_space<hbm>> -> memref<1024xi32, #tpu.memory_space<hbm>>
      tpu.wait_dma2 semaphore(%run_scoped3A : memref<!tpu.dma_semaphore, #tpu.memory_space<semaphore_mem>>) src(%dma_wait3A_49 : memref<1024xi32, #tpu.memory_space<hbm>>) dst(%arg9 : memref<1024xi32, #tpu.memory_space<vmem>>)
      tpu.yield
    }) : () -> ()
    %scan3A = arith.constant 0 : i32
    %scan3A_28 = arith.constant 0 : i32
    %scan3A_29 = arith.constant 64 : i32
    %scan3A_30 = arith.addi %scan3A_28, %scan3A_29 : i32
    %scan3A_31 = arith.constant 1 : i32
    %scan3A_32 = scf.for %scan3A_48 = %scan3A_28 to %scan3A_30 step %scan3A_31 iter_args(%scan3A_49 = %scan3A) -> (i32)  : i32 {
      %mul3A_50 = arith.constant 16 : i32
      %mul3A_51 = arith.muli %scan3A_48, %mul3A_50 : i32
      %get3A = arith.index_cast %mul3A_51 : i32 to index
      %get3A_52 = tpu.vector_load %arg7[%get3A] {strides = array<i32>} : memref<1024xf32, #tpu.memory_space<vmem>>, vector<16xf32>,
      %get3A_53 = vector.shape_cast %get3A_52 : vector<16xf32> to vector<16xf32>
      %get3A_54 = arith.index_cast %mul3A_51 : i32 to index
      %get3A_55 = tpu.vector_load %arg8[%get3A_54] {strides = array<i32>} : memref<1024xf32, #tpu.memory_space<vmem>>, vector<16xf32>,
      %get3A_56 = vector.shape_cast %get3A_55 : vector<16xf32> to vector<16xf32>
      %get3A_57 = arith.index_cast %mul3A_51 : i32 to index
      %get3A_58 = tpu.vector_load %arg9[%get3A_57] {strides = array<i32>} : memref<1024xi32, #tpu.memory_space<vmem>>, vector<16xi32>,
      %get3A_59 = vector.shape_cast %get3A_58 : vector<16xi32> to vector<16xi32>
      %shift_right_arithmetic3A = arith.constant 1 : i32
      %shift_right_arithmetic3A_60 = vector.broadcast %shift_right_arithmetic3A : i32 to vector<16xi32>
      %shift_right_arithmetic3A_61 = arith.shrsi %get3A_59, %shift_right_arithmetic3A_60 : vector<16xi32>
      %eq3A = arith.constant 0 : i32
      %eq3A_62 = vector.broadcast %eq3A : i32 to vector<16xi32>
      %eq3A_63 = arith.cmpi eq, %shift_right_arithmetic3A_61, %eq3A_62 : vector<16xi32>
      %jit3A_64 = arith.constant 2.047000e+03 : f32
      %jit3A_65 = arith.constant 1.023000e+03 : f32
      %broadcast_in_dim3A = vector.broadcast %jit3A_64 : f32 to vector<16xf32>
      %broadcast_in_dim3A_66 = vector.broadcast %jit3A_65 : f32 to vector<16xf32>
      %select_n3A_67 = arith.select %eq3A_63, %broadcast_in_dim3A, %broadcast_in_dim3A_66 : vector<16xi1>, vector<16xf32>
      %add3A_68 = arith.constant 1.000000e+00 : f32
      %add3A_69 = vector.broadcast %add3A_68 : f32 to vector<16xf32>
      %add3A_70 = arith.addf %get3A_53, %add3A_69 : vector<16xf32>
      %mul3A_71 = arith.constant 5.000000e-01 : f32
      %mul3A_72 = vector.broadcast %mul3A_71 : f32 to vector<16xf32>
      %mul3A_73 = arith.mulf %add3A_70, %mul3A_72 : vector<16xf32>
      %mul3A_74 = arith.mulf %mul3A_73, %select_n3A_67 : vector<16xf32>
      %jit3A_75 = arith.constant 0.000000e+00 : f32
      %max3A = vector.broadcast %jit3A_75 : f32 to vector<16xf32>
      %max3A_76 = arith.maximumf %max3A, %mul3A_74 : vector<16xf32>
      %min3A = arith.minimumf %select_n3A_67, %max3A_76 : vector<16xf32>
      %add3A_77 = arith.constant 1.000000e+00 : f32
      %add3A_78 = vector.broadcast %add3A_77 : f32 to vector<16xf32>
      %add3A_79 = arith.addf %get3A_56, %add3A_78 : vector<16xf32>
      %mul3A_80 = arith.constant 5.000000e-01 : f32
      %mul3A_81 = vector.broadcast %mul3A_80 : f32 to vector<16xf32>
      %mul3A_82 = arith.mulf %add3A_79, %mul3A_81 : vector<16xf32>
      %mul3A_83 = arith.mulf %mul3A_82, %select_n3A_67 : vector<16xf32>
      %jit3A_84 = arith.constant 0.000000e+00 : f32
      %max3A_85 = vector.broadcast %jit3A_84 : f32 to vector<16xf32>
      %max3A_86 = arith.maximumf %max3A_85, %mul3A_83 : vector<16xf32>
      %min3A_87 = arith.minimumf %select_n3A_67, %max3A_86 : vector<16xf32>
      %convert_element_type3A = arith.fptosi %min3A : vector<16xf32> to vector<16xi32>
      %convert_element_type3A_88 = arith.fptosi %min3A_87 : vector<16xf32> to vector<16xi32>
      %convert_element_type3A_89 = arith.sitofp %convert_element_type3A : vector<16xi32> to vector<16xf32>
      %sub3A_90 = arith.subf %min3A, %convert_element_type3A_89 : vector<16xf32>
      %swap3A = arith.index_cast %mul3A_51 : i32 to index
      %swap3A_91 = tpu.vector_load %arg10[%swap3A] {strides = array<i32>} : memref<1024xf32, #tpu.memory_space<vmem>>, vector<16xf32>,
      %swap3A_92 = vector.shape_cast %swap3A_91 : vector<16xf32> to vector<16xf32>
      %swap3A_93 = vector.shape_cast %sub3A_90 : vector<16xf32> to vector<16xf32>
      tpu.vector_store %arg10[%swap3A], %swap3A_93 {strides = array<i32>} : memref<1024xf32, #tpu.memory_space<vmem>>, vector<16xf32>,
      %convert_element_type3A_94 = arith.sitofp %convert_element_type3A_88 : vector<16xi32> to vector<16xf32>
      %sub3A_95 = arith.subf %min3A_87, %convert_element_type3A_94 : vector<16xf32>
      %swap3A_96 = arith.index_cast %mul3A_51 : i32 to index
      %swap3A_97 = tpu.vector_load %arg11[%swap3A_96] {strides = array<i32>} : memref<1024xf32, #tpu.memory_space<vmem>>, vector<16xf32>,
      %swap3A_98 = vector.shape_cast %swap3A_97 : vector<16xf32> to vector<16xf32>
      %swap3A_99 = vector.shape_cast %sub3A_95 : vector<16xf32> to vector<16xf32>
      tpu.vector_store %arg11[%swap3A_96], %swap3A_99 {strides = array<i32>} : memref<1024xf32, #tpu.memory_space<vmem>>, vector<16xf32>,
      %eq3A_100 = arith.constant 0 : i32
      %eq3A_101 = vector.broadcast %eq3A_100 : i32 to vector<16xi32>
      %eq3A_102 = arith.cmpi eq, %shift_right_arithmetic3A_61, %eq3A_101 : vector<16xi32>
      %jit3A_103 = arith.constant 2047 : i32
      %jit3A_104 = arith.constant 1023 : i32
      %broadcast_in_dim3A_105 = vector.broadcast %jit3A_103 : i32 to vector<16xi32>
      %broadcast_in_dim3A_106 = vector.broadcast %jit3A_104 : i32 to vector<16xi32>
      %select_n3A_107 = arith.select %eq3A_102, %broadcast_in_dim3A_105, %broadcast_in_dim3A_106 : vector<16xi1>, vector<16xi32>
      %add3A_108 = arith.constant 1 : i32
      %add3A_109 = vector.broadcast %add3A_108 : i32 to vector<16xi32>
      %add3A_110 = arith.addi %convert_element_type3A_88, %add3A_109 : vector<16xi32>
      %min3A_111 = arith.minsi %add3A_110, %select_n3A_107 : vector<16xi32>
      %sub3A_112 = arith.constant 11 : i32
      %sub3A_113 = vector.broadcast %sub3A_112 : i32 to vector<16xi32>
      %sub3A_114 = arith.subi %sub3A_113, %shift_right_arithmetic3A_61 : vector<16xi32>
      %mul3A_115 = arith.constant 12582912 : i32
      %mul3A_116 = vector.broadcast %mul3A_115 : i32 to vector<16xi32>
      %mul3A_117 = arith.muli %get3A_59, %mul3A_116 : vector<16xi32>
      %eq3A_118 = arith.constant 3 : i32
      %eq3A_119 = vector.broadcast %eq3A_118 : i32 to vector<16xi32>
      %eq3A_120 = arith.cmpi eq, %get3A_59, %eq3A_119 : vector<16xi32>
      %jit3A_121 = arith.constant 9437184 : i32
      %jit3A_122 = arith.constant 0 : i32
      %broadcast_in_dim3A_123 = vector.broadcast %jit3A_121 : i32 to vector<16xi32>
      %broadcast_in_dim3A_124 = vector.broadcast %jit3A_122 : i32 to vector<16xi32>
      %select_n3A_125 = arith.select %eq3A_120, %broadcast_in_dim3A_123, %broadcast_in_dim3A_124 : vector<16xi1>, vector<16xi32>
      %sub3A_126 = arith.subi %mul3A_117, %select_n3A_125 : vector<16xi32>
      %eq3A_127 = arith.constant 0 : i32
      %eq3A_128 = vector.broadcast %eq3A_127 : i32 to vector<16xi32>
      %eq3A_129 = arith.cmpi eq, %shift_right_arithmetic3A_61, %eq3A_128 : vector<16xi32>
      %jit3A_130 = arith.constant 4194304 : i32
      %jit3A_131 = arith.constant 1048576 : i32
      %broadcast_in_dim3A_132 = vector.broadcast %jit3A_130 : i32 to vector<16xi32>
      %broadcast_in_dim3A_133 = vector.broadcast %jit3A_131 : i32 to vector<16xi32>
      %select_n3A_134 = arith.select %eq3A_129, %broadcast_in_dim3A_132, %broadcast_in_dim3A_133 : vector<16xi1>, vector<16xi32>
      %shift_left3A = arith.shli %convert_element_type3A_88, %sub3A_114 : vector<16xi32>
      %add3A_135 = arith.addi %sub3A_126, %shift_left3A : vector<16xi32>
      %add3A_136 = arith.addi %add3A_135, %convert_element_type3A : vector<16xi32>
      %shift_left3A_137 = arith.shli %min3A_111, %sub3A_114 : vector<16xi32>
      %add3A_138 = arith.addi %sub3A_126, %shift_left3A_137 : vector<16xi32>
      %add3A_139 = arith.addi %add3A_138, %convert_element_type3A : vector<16xi32>
      %mul3A_140 = arith.constant 0 : i32
      %mul3A_141 = vector.broadcast %mul3A_140 : i32 to vector<16xi32>
      %mul3A_142 = arith.muli %mul3A_141, %select_n3A_134 : vector<16xi32>
      %add3A_143 = arith.addi %add3A_136, %mul3A_142 : vector<16xi32>
      %mul3A_144 = arith.constant 16 : i32
      %mul3A_145 = arith.muli %scan3A_48, %mul3A_144 : i32
      %add3A_146 = arith.constant 0 : i32
      %add3A_147 = arith.addi %add3A_146, %mul3A_145 : i32
      %swap3A_148 = arith.index_cast %add3A_147 : i32 to index
      %swap3A_149 = tpu.vector_load %arg12[%swap3A_148] {strides = array<i32>} : memref<6144xi32, #tpu.memory_space<vmem>>, vector<16xi32>,
      %swap3A_150 = vector.shape_cast %swap3A_149 : vector<16xi32> to vector<16xi32>
      %swap3A_151 = vector.shape_cast %add3A_143 : vector<16xi32> to vector<16xi32>
      tpu.vector_store %arg12[%swap3A_148], %swap3A_151 {strides = array<i32>} : memref<6144xi32, #tpu.memory_space<vmem>>, vector<16xi32>,
      %mul3A_152 = arith.constant 0 : i32
      %mul3A_153 = vector.broadcast %mul3A_152 : i32 to vector<16xi32>
      %mul3A_154 = arith.muli %mul3A_153, %select_n3A_134 : vector<16xi32>
      %add3A_155 = arith.addi %add3A_139, %mul3A_154 : vector<16xi32>
      %mul3A_156 = arith.constant 16 : i32
      %mul3A_157 = arith.muli %scan3A_48, %mul3A_156 : i32
      %add3A_158 = arith.constant 3072 : i32
      %add3A_159 = arith.addi %add3A_158, %mul3A_157 : i32
      %swap3A_160 = arith.index_cast %add3A_159 : i32 to index
      %swap3A_161 = tpu.vector_load %arg12[%swap3A_160] {strides = array<i32>} : memref<6144xi32, #tpu.memory_space<vmem>>, vector<16xi32>,
      %swap3A_162 = vector.shape_cast %swap3A_161 : vector<16xi32> to vector<16xi32>
      %swap3A_163 = vector.shape_cast %add3A_155 : vector<16xi32> to vector<16xi32>
      tpu.vector_store %arg12[%swap3A_160], %swap3A_163 {strides = array<i32>} : memref<6144xi32, #tpu.memory_space<vmem>>, vector<16xi32>,
      %mul3A_164 = arith.constant 1 : i32
      %mul3A_165 = vector.broadcast %mul3A_164 : i32 to vector<16xi32>
      %mul3A_166 = arith.muli %mul3A_165, %select_n3A_134 : vector<16xi32>
      %add3A_167 = arith.addi %add3A_136, %mul3A_166 : vector<16xi32>
      %mul3A_168 = arith.constant 16 : i32
      %mul3A_169 = arith.muli %scan3A_48, %mul3A_168 : i32
      %add3A_170 = arith.constant 1024 : i32
      %add3A_171 = arith.addi %add3A_170, %mul3A_169 : i32
      %swap3A_172 = arith.index_cast %add3A_171 : i32 to index
      %swap3A_173 = tpu.vector_load %arg12[%swap3A_172] {strides = array<i32>} : memref<6144xi32, #tpu.memory_space<vmem>>, vector<16xi32>,
      %swap3A_174 = vector.shape_cast %swap3A_173 : vector<16xi32> to vector<16xi32>
      %swap3A_175 = vector.shape_cast %add3A_167 : vector<16xi32> to vector<16xi32>
      tpu.vector_store %arg12[%swap3A_172], %swap3A_175 {strides = array<i32>} : memref<6144xi32, #tpu.memory_space<vmem>>, vector<16xi32>,
      %mul3A_176 = arith.constant 1 : i32
      %mul3A_177 = vector.broadcast %mul3A_176 : i32 to vector<16xi32>
      %mul3A_178 = arith.muli %mul3A_177, %select_n3A_134 : vector<16xi32>
      %add3A_179 = arith.addi %add3A_139, %mul3A_178 : vector<16xi32>
      %mul3A_180 = arith.constant 16 : i32
      %mul3A_181 = arith.muli %scan3A_48, %mul3A_180 : i32
      %add3A_182 = arith.constant 4096 : i32
      %add3A_183 = arith.addi %add3A_182, %mul3A_181 : i32
      %swap3A_184 = arith.index_cast %add3A_183 : i32 to index
      %swap3A_185 = tpu.vector_load %arg12[%swap3A_184] {strides = array<i32>} : memref<6144xi32, #tpu.memory_space<vmem>>, vector<16xi32>,
      %swap3A_186 = vector.shape_cast %swap3A_185 : vector<16xi32> to vector<16xi32>
      %swap3A_187 = vector.shape_cast %add3A_179 : vector<16xi32> to vector<16xi32>
      tpu.vector_store %arg12[%swap3A_184], %swap3A_187 {strides = array<i32>} : memref<6144xi32, #tpu.memory_space<vmem>>, vector<16xi32>,
      %mul3A_188 = arith.constant 2 : i32
      %mul3A_189 = vector.broadcast %mul3A_188 : i32 to vector<16xi32>
      %mul3A_190 = arith.muli %mul3A_189, %select_n3A_134 : vector<16xi32>
      %add3A_191 = arith.addi %add3A_136, %mul3A_190 : vector<16xi32>
      %mul3A_192 = arith.constant 16 : i32
      %mul3A_193 = arith.muli %scan3A_48, %mul3A_192 : i32
      %add3A_194 = arith.constant 2048 : i32
      %add3A_195 = arith.addi %add3A_194, %mul3A_193 : i32
      %swap3A_196 = arith.index_cast %add3A_195 : i32 to index
      %swap3A_197 = tpu.vector_load %arg12[%swap3A_196] {strides = array<i32>} : memref<6144xi32, #tpu.memory_space<vmem>>, vector<16xi32>,
      %swap3A_198 = vector.shape_cast %swap3A_197 : vector<16xi32> to vector<16xi32>
      %swap3A_199 = vector.shape_cast %add3A_191 : vector<16xi32> to vector<16xi32>
      tpu.vector_store %arg12[%swap3A_196], %swap3A_199 {strides = array<i32>} : memref<6144xi32, #tpu.memory_space<vmem>>, vector<16xi32>,
      %mul3A_200 = arith.constant 2 : i32
      %mul3A_201 = vector.broadcast %mul3A_200 : i32 to vector<16xi32>
      %mul3A_202 = arith.muli %mul3A_201, %select_n3A_134 : vector<16xi32>
      %add3A_203 = arith.addi %add3A_139, %mul3A_202 : vector<16xi32>
      %mul3A_204 = arith.constant 16 : i32
      %mul3A_205 = arith.muli %scan3A_48, %mul3A_204 : i32
      %add3A_206 = arith.constant 5120 : i32
      %add3A_207 = arith.addi %add3A_206, %mul3A_205 : i32
      %swap3A_208 = arith.index_cast %add3A_207 : i32 to index
      %swap3A_209 = tpu.vector_load %arg12[%swap3A_208] {strides = array<i32>} : memref<6144xi32, #tpu.memory_space<vmem>>, vector<16xi32>,
      %swap3A_210 = vector.shape_cast %swap3A_209 : vector<16xi32> to vector<16xi32>
      %swap3A_211 = vector.shape_cast %add3A_203 : vector<16xi32> to vector<16xi32>
      tpu.vector_store %arg12[%swap3A_208], %swap3A_211 {strides = array<i32>} : memref<6144xi32, #tpu.memory_space<vmem>>, vector<16xi32>,
      %scan3A_212 = arith.constant 0 : i32
      scf.yield %scan3A_212 : i32
    }
    %scan3A_33 = arith.constant 64 : i32
    %scan3A_34 = arith.constant 0 : i32
    %scan3A_35 = arith.constant 0 : i32
    %scan3A_36 = arith.constant 48 : i32
    %scan3A_37 = arith.addi %scan3A_35, %scan3A_36 : i32
    %scan3A_38 = arith.constant 1 : i32
    %scan3A_39 = scf.for %scan3A_48 = %scan3A_35 to %scan3A_37 step %scan3A_38 iter_args(%scan3A_49 = %scan3A_34) -> (i32)  : i32 {
      %mul3A_50 = arith.constant 128 : i32
      %mul3A_51 = arith.muli %scan3A_48, %mul3A_50 : i32
      %dma_start3A = tpu.memref_slice %arg13[%mul3A_51] : memref<6144xi32, #tpu.memory_space<vmem>> -> memref<128xi32, #tpu.memory_space<vmem>>
      %dma_start3A_52 = tpu.memref_slice %arg12[%mul3A_51] : memref<6144xi32, #tpu.memory_space<vmem>> -> memref<128xi32, #tpu.memory_space<vmem>>
      %dma_start3A_53 = arith.constant 0 : i32
      %dma_start3A_54 = tpu.memref_slice %arg5[%dma_start3A_53] : memref<31457280xi32, #tpu.memory_space<hbm>> -> memref<31457280xi32, #tpu.memory_space<hbm>>
      tpu.enqueue_indirect_dma source(%dma_start3A_54 : memref<31457280xi32, #tpu.memory_space<hbm>>) target(%dma_start3A : memref<128xi32, #tpu.memory_space<vmem>>) offsets(%dma_start3A_52 : memref<128xi32, #tpu.memory_space<vmem>>) semaphore(%arg21 : memref<!tpu.dma_semaphore, #tpu.memory_space<semaphore_mem>>)
      %scan3A_55 = arith.constant 0 : i32
      scf.yield %scan3A_55 : i32
    }
    %scan3A_40 = arith.constant 48 : i32
    %scan3A_41 = arith.constant 0 : i32
    %scan3A_42 = arith.constant 0 : i32
    %scan3A_43 = arith.constant 16 : i32
    %scan3A_44 = arith.addi %scan3A_42, %scan3A_43 : i32
    %scan3A_45 = arith.constant 1 : i32
    %scan3A_46 = scf.for %scan3A_48 = %scan3A_42 to %scan3A_44 step %scan3A_45 iter_args(%scan3A_49 = %scan3A_41) -> (i32)  : i32 {
      %mul3A_50 = arith.constant 2 : i32
      %mul3A_51 = arith.muli %mul3A_50, %scan3A_48 : i32
      %add3A_52 = arith.constant 1 : i32
      %add3A_53 = arith.addi %mul3A_51, %add3A_52 : i32
      %mul3A_54 = arith.constant 32768 : i32
      %mul3A_55 = arith.muli %add3A, %mul3A_54 : i32
      %mul3A_56 = arith.constant 1024 : i32
      %mul3A_57 = arith.muli %add3A_53, %mul3A_56 : i32
      %add3A_58 = arith.addi %mul3A_55, %mul3A_57 : i32
      "tpu.region"() ({
        %run_scoped3A = tpu.sem_alloc : memref<!tpu.dma_semaphore, #tpu.memory_space<semaphore_mem>>
        %dma_start3A = tpu.memref_slice %arg2[%add3A_58] : memref<1048576xf32, #tpu.memory_space<hbm>> -> memref<1024xf32, #tpu.memory_space<hbm>>
        %dma_start3A_119 = tpu.memref_slice %arg2[%add3A_58] : memref<1048576xf32, #tpu.memory_space<hbm>> -> memref<1024xf32, #tpu.memory_space<hbm>>
        tpu.enqueue_dma source(%dma_start3A_119 : memref<1024xf32, #tpu.memory_space<hbm>>) target(%arg7 : memref<1024xf32, #tpu.memory_space<vmem>>) target_semaphore(%run_scoped3A : memref<!tpu.dma_semaphore, #tpu.memory_space<semaphore_mem>>)
        %dma_wait3A_120 = tpu.memref_slice %arg2[%add3A_58] : memref<1048576xf32, #tpu.memory_space<hbm>> -> memref<1024xf32, #tpu.memory_space<hbm>>
        %dma_wait3A_121 = tpu.memref_slice %arg2[%add3A_58] : memref<1048576xf32, #tpu.memory_space<hbm>> -> memref<1024xf32, #tpu.memory_space<hbm>>
        tpu.wait_dma2 semaphore(%run_scoped3A : memref<!tpu.dma_semaphore, #tpu.memory_space<semaphore_mem>>) src(%dma_wait3A_121 : memref<1024xf32, #tpu.memory_space<hbm>>) dst(%arg7 : memref<1024xf32, #tpu.memory_space<vmem>>)
        tpu.yield
      }) : () -> ()
      "tpu.region"() ({
        %run_scoped3A = tpu.sem_alloc : memref<!tpu.dma_semaphore, #tpu.memory_space<semaphore_mem>>
        %dma_start3A = tpu.memref_slice %arg3[%add3A_58] : memref<1048576xf32, #tpu.memory_space<hbm>> -> memref<1024xf32, #tpu.memory_space<hbm>>
        %dma_start3A_119 = tpu.memref_slice %arg3[%add3A_58] : memref<1048576xf32, #tpu.memory_space<hbm>> -> memref<1024xf32, #tpu.memory_space<hbm>>
        tpu.enqueue_dma source(%dma_start3A_119 : memref<1024xf32, #tpu.memory_space<hbm>>) target(%arg8 : memref<1024xf32, #tpu.memory_space<vmem>>) target_semaphore(%run_scoped3A : memref<!tpu.dma_semaphore, #tpu.memory_space<semaphore_mem>>)
        %dma_wait3A_120 = tpu.memref_slice %arg3[%add3A_58] : memref<1048576xf32, #tpu.memory_space<hbm>> -> memref<1024xf32, #tpu.memory_space<hbm>>
        %dma_wait3A_121 = tpu.memref_slice %arg3[%add3A_58] : memref<1048576xf32, #tpu.memory_space<hbm>> -> memref<1024xf32, #tpu.memory_space<hbm>>
        tpu.wait_dma2 semaphore(%run_scoped3A : memref<!tpu.dma_semaphore, #tpu.memory_space<semaphore_mem>>) src(%dma_wait3A_121 : memref<1024xf32, #tpu.memory_space<hbm>>) dst(%arg8 : memref<1024xf32, #tpu.memory_space<vmem>>)
        tpu.yield
      }) : () -> ()
      "tpu.region"() ({
        %run_scoped3A = tpu.sem_alloc : memref<!tpu.dma_semaphore, #tpu.memory_space<semaphore_mem>>
        %dma_start3A = tpu.memref_slice %arg4[%add3A_58] : memref<1048576xi32, #tpu.memory_space<hbm>> -> memref<1024xi32, #tpu.memory_space<hbm>>
        %dma_start3A_119 = tpu.memref_slice %arg4[%add3A_58] : memref<1048576xi32, #tpu.memory_space<hbm>> -> memref<1024xi32, #tpu.memory_space<hbm>>
        tpu.enqueue_dma source(%dma_start3A_119 : memref<1024xi32, #tpu.memory_space<hbm>>) target(%arg9 : memref<1024xi32, #tpu.memory_space<vmem>>) target_semaphore(%run_scoped3A : memref<!tpu.dma_semaphore, #tpu.memory_space<semaphore_mem>>)
        %dma_wait3A_120 = tpu.memref_slice %arg4[%add3A_58] : memref<1048576xi32, #tpu.memory_space<hbm>> -> memref<1024xi32, #tpu.memory_space<hbm>>
        %dma_wait3A_121 = tpu.memref_slice %arg4[%add3A_58] : memref<1048576xi32, #tpu.memory_space<hbm>> -> memref<1024xi32, #tpu.memory_space<hbm>>
        tpu.wait_dma2 semaphore(%run_scoped3A : memref<!tpu.dma_semaphore, #tpu.memory_space<semaphore_mem>>) src(%dma_wait3A_121 : memref<1024xi32, #tpu.memory_space<hbm>>) dst(%arg9 : memref<1024xi32, #tpu.memory_space<vmem>>)
        tpu.yield
      }) : () -> ()
      %scan3A_59 = arith.constant 0 : i32
      %scan3A_60 = arith.constant 0 : i32
      %scan3A_61 = arith.constant 64 : i32
      %scan3A_62 = arith.addi %scan3A_60, %scan3A_61 : i32
      %scan3A_63 = arith.constant 1 : i32
      %scan3A_64 = scf.for %scan3A_119 = %scan3A_60 to %scan3A_62 step %scan3A_63 iter_args(%scan3A_120 = %scan3A_59) -> (i32)  : i32 {
        %mul3A_121 = arith.constant 16 : i32
        %mul3A_122 = arith.muli %scan3A_119, %mul3A_121 : i32
        %get3A = arith.index_cast %mul3A_122 : i32 to index
        %get3A_123 = tpu.vector_load %arg7[%get3A] {strides = array<i32>} : memref<1024xf32, #tpu.memory_space<vmem>>, vector<16xf32>,
        %get3A_124 = vector.shape_cast %get3A_123 : vector<16xf32> to vector<16xf32>
        %get3A_125 = arith.index_cast %mul3A_122 : i32 to index
        %get3A_126 = tpu.vector_load %arg8[%get3A_125] {strides = array<i32>} : memref<1024xf32, #tpu.memory_space<vmem>>, vector<16xf32>,
        %get3A_127 = vector.shape_cast %get3A_126 : vector<16xf32> to vector<16xf32>
        %get3A_128 = arith.index_cast %mul3A_122 : i32 to index
        %get3A_129 = tpu.vector_load %arg9[%get3A_128] {strides = array<i32>} : memref<1024xi32, #tpu.memory_space<vmem>>, vector<16xi32>,
        %get3A_130 = vector.shape_cast %get3A_129 : vector<16xi32> to vector<16xi32>
        %shift_right_arithmetic3A = arith.constant 1 : i32
        %shift_right_arithmetic3A_131 = vector.broadcast %shift_right_arithmetic3A : i32 to vector<16xi32>
        %shift_right_arithmetic3A_132 = arith.shrsi %get3A_130, %shift_right_arithmetic3A_131 : vector<16xi32>
        %eq3A = arith.constant 0 : i32
        %eq3A_133 = vector.broadcast %eq3A : i32 to vector<16xi32>
        %eq3A_134 = arith.cmpi eq, %shift_right_arithmetic3A_132, %eq3A_133 : vector<16xi32>
        %jit3A_135 = arith.constant 2.047000e+03 : f32
        %jit3A_136 = arith.constant 1.023000e+03 : f32
        %broadcast_in_dim3A = vector.broadcast %jit3A_135 : f32 to vector<16xf32>
        %broadcast_in_dim3A_137 = vector.broadcast %jit3A_136 : f32 to vector<16xf32>
        %select_n3A_138 = arith.select %eq3A_134, %broadcast_in_dim3A, %broadcast_in_dim3A_137 : vector<16xi1>, vector<16xf32>
        %add3A_139 = arith.constant 1.000000e+00 : f32
        %add3A_140 = vector.broadcast %add3A_139 : f32 to vector<16xf32>
        %add3A_141 = arith.addf %get3A_124, %add3A_140 : vector<16xf32>
        %mul3A_142 = arith.constant 5.000000e-01 : f32
        %mul3A_143 = vector.broadcast %mul3A_142 : f32 to vector<16xf32>
        %mul3A_144 = arith.mulf %add3A_141, %mul3A_143 : vector<16xf32>
        %mul3A_145 = arith.mulf %mul3A_144, %select_n3A_138 : vector<16xf32>
        %jit3A_146 = arith.constant 0.000000e+00 : f32
        %max3A = vector.broadcast %jit3A_146 : f32 to vector<16xf32>
        %max3A_147 = arith.maximumf %max3A, %mul3A_145 : vector<16xf32>
        %min3A = arith.minimumf %select_n3A_138, %max3A_147 : vector<16xf32>
        %add3A_148 = arith.constant 1.000000e+00 : f32
        %add3A_149 = vector.broadcast %add3A_148 : f32 to vector<16xf32>
        %add3A_150 = arith.addf %get3A_127, %add3A_149 : vector<16xf32>
        %mul3A_151 = arith.constant 5.000000e-01 : f32
        %mul3A_152 = vector.broadcast %mul3A_151 : f32 to vector<16xf32>
        %mul3A_153 = arith.mulf %add3A_150, %mul3A_152 : vector<16xf32>
        %mul3A_154 = arith.mulf %mul3A_153, %select_n3A_138 : vector<16xf32>
        %jit3A_155 = arith.constant 0.000000e+00 : f32
        %max3A_156 = vector.broadcast %jit3A_155 : f32 to vector<16xf32>
        %max3A_157 = arith.maximumf %max3A_156, %mul3A_154 : vector<16xf32>
        %min3A_158 = arith.minimumf %select_n3A_138, %max3A_157 : vector<16xf32>
        %convert_element_type3A_159 = arith.fptosi %min3A : vector<16xf32> to vector<16xi32>
        %convert_element_type3A_160 = arith.fptosi %min3A_158 : vector<16xf32> to vector<16xi32>
        %convert_element_type3A_161 = arith.sitofp %convert_element_type3A_159 : vector<16xi32> to vector<16xf32>
        %sub3A_162 = arith.subf %min3A, %convert_element_type3A_161 : vector<16xf32>
        %swap3A = arith.index_cast %mul3A_122 : i32 to index
        %swap3A_163 = tpu.vector_load %arg14[%swap3A] {strides = array<i32>} : memref<1024xf32, #tpu.memory_space<vmem>>, vector<16xf32>,
        %swap3A_164 = vector.shape_cast %swap3A_163 : vector<16xf32> to vector<16xf32>
        %swap3A_165 = vector.shape_cast %sub3A_162 : vector<16xf32> to vector<16xf32>
        tpu.vector_store %arg14[%swap3A], %swap3A_165 {strides = array<i32>} : memref<1024xf32, #tpu.memory_space<vmem>>, vector<16xf32>,
        %convert_element_type3A_166 = arith.sitofp %convert_element_type3A_160 : vector<16xi32> to vector<16xf32>
        %sub3A_167 = arith.subf %min3A_158, %convert_element_type3A_166 : vector<16xf32>
        %swap3A_168 = arith.index_cast %mul3A_122 : i32 to index
        %swap3A_169 = tpu.vector_load %arg15[%swap3A_168] {strides = array<i32>} : memref<1024xf32, #tpu.memory_space<vmem>>, vector<16xf32>,
        %swap3A_170 = vector.shape_cast %swap3A_169 : vector<16xf32> to vector<16xf32>
        %swap3A_171 = vector.shape_cast %sub3A_167 : vector<16xf32> to vector<16xf32>
        tpu.vector_store %arg15[%swap3A_168], %swap3A_171 {strides = array<i32>} : memref<1024xf32, #tpu.memory_space<vmem>>, vector<16xf32>,
        %eq3A_172 = arith.constant 0 : i32
        %eq3A_173 = vector.broadcast %eq3A_172 : i32 to vector<16xi32>
        %eq3A_174 = arith.cmpi eq, %shift_right_arithmetic3A_132, %eq3A_173 : vector<16xi32>
        %jit3A_175 = arith.constant 2047 : i32
        %jit3A_176 = arith.constant 1023 : i32
        %broadcast_in_dim3A_177 = vector.broadcast %jit3A_175 : i32 to vector<16xi32>
        %broadcast_in_dim3A_178 = vector.broadcast %jit3A_176 : i32 to vector<16xi32>
        %select_n3A_179 = arith.select %eq3A_174, %broadcast_in_dim3A_177, %broadcast_in_dim3A_178 : vector<16xi1>, vector<16xi32>
        %add3A_180 = arith.constant 1 : i32
        %add3A_181 = vector.broadcast %add3A_180 : i32 to vector<16xi32>
        %add3A_182 = arith.addi %convert_element_type3A_160, %add3A_181 : vector<16xi32>
        %min3A_183 = arith.minsi %add3A_182, %select_n3A_179 : vector<16xi32>
        %sub3A_184 = arith.constant 11 : i32
        %sub3A_185 = vector.broadcast %sub3A_184 : i32 to vector<16xi32>
        %sub3A_186 = arith.subi %sub3A_185, %shift_right_arithmetic3A_132 : vector<16xi32>
        %mul3A_187 = arith.constant 12582912 : i32
        %mul3A_188 = vector.broadcast %mul3A_187 : i32 to vector<16xi32>
        %mul3A_189 = arith.muli %get3A_130, %mul3A_188 : vector<16xi32>
        %eq3A_190 = arith.constant 3 : i32
        %eq3A_191 = vector.broadcast %eq3A_190 : i32 to vector<16xi32>
        %eq3A_192 = arith.cmpi eq, %get3A_130, %eq3A_191 : vector<16xi32>
        %jit3A_193 = arith.constant 9437184 : i32
        %jit3A_194 = arith.constant 0 : i32
        %broadcast_in_dim3A_195 = vector.broadcast %jit3A_193 : i32 to vector<16xi32>
        %broadcast_in_dim3A_196 = vector.broadcast %jit3A_194 : i32 to vector<16xi32>
        %select_n3A_197 = arith.select %eq3A_192, %broadcast_in_dim3A_195, %broadcast_in_dim3A_196 : vector<16xi1>, vector<16xi32>
        %sub3A_198 = arith.subi %mul3A_189, %select_n3A_197 : vector<16xi32>
        %eq3A_199 = arith.constant 0 : i32
        %eq3A_200 = vector.broadcast %eq3A_199 : i32 to vector<16xi32>
        %eq3A_201 = arith.cmpi eq, %shift_right_arithmetic3A_132, %eq3A_200 : vector<16xi32>
        %jit3A_202 = arith.constant 4194304 : i32
        %jit3A_203 = arith.constant 1048576 : i32
        %broadcast_in_dim3A_204 = vector.broadcast %jit3A_202 : i32 to vector<16xi32>
        %broadcast_in_dim3A_205 = vector.broadcast %jit3A_203 : i32 to vector<16xi32>
        %select_n3A_206 = arith.select %eq3A_201, %broadcast_in_dim3A_204, %broadcast_in_dim3A_205 : vector<16xi1>, vector<16xi32>
        %shift_left3A = arith.shli %convert_element_type3A_160, %sub3A_186 : vector<16xi32>
        %add3A_207 = arith.addi %sub3A_198, %shift_left3A : vector<16xi32>
        %add3A_208 = arith.addi %add3A_207, %convert_element_type3A_159 : vector<16xi32>
        %shift_left3A_209 = arith.shli %min3A_183, %sub3A_186 : vector<16xi32>
        %add3A_210 = arith.addi %sub3A_198, %shift_left3A_209 : vector<16xi32>
        %add3A_211 = arith.addi %add3A_210, %convert_element_type3A_159 : vector<16xi32>
        %mul3A_212 = arith.constant 0 : i32
        %mul3A_213 = vector.broadcast %mul3A_212 : i32 to vector<16xi32>
        %mul3A_214 = arith.muli %mul3A_213, %select_n3A_206 : vector<16xi32>
        %add3A_215 = arith.addi %add3A_208, %mul3A_214 : vector<16xi32>
        %mul3A_216 = arith.constant 16 : i32
        %mul3A_217 = arith.muli %scan3A_119, %mul3A_216 : i32
        %add3A_218 = arith.constant 0 : i32
        %add3A_219 = arith.addi %add3A_218, %mul3A_217 : i32
        %swap3A_220 = arith.index_cast %add3A_219 : i32 to index
        %swap3A_221 = tpu.vector_load %arg16[%swap3A_220] {strides = array<i32>} : memref<6144xi32, #tpu.memory_space<vmem>>, vector<16xi32>,
        %swap3A_222 = vector.shape_cast %swap3A_221 : vector<16xi32> to vector<16xi32>
        %swap3A_223 = vector.shape_cast %add3A_215 : vector<16xi32> to vector<16xi32>
        tpu.vector_store %arg16[%swap3A_220], %swap3A_223 {strides = array<i32>} : memref<6144xi32, #tpu.memory_space<vmem>>, vector<16xi32>,
        %mul3A_224 = arith.constant 0 : i32
        %mul3A_225 = vector.broadcast %mul3A_224 : i32 to vector<16xi32>
        %mul3A_226 = arith.muli %mul3A_225, %select_n3A_206 : vector<16xi32>
        %add3A_227 = arith.addi %add3A_211, %mul3A_226 : vector<16xi32>
        %mul3A_228 = arith.constant 16 : i32
        %mul3A_229 = arith.muli %scan3A_119, %mul3A_228 : i32
        %add3A_230 = arith.constant 3072 : i32
        %add3A_231 = arith.addi %add3A_230, %mul3A_229 : i32
        %swap3A_232 = arith.index_cast %add3A_231 : i32 to index
        %swap3A_233 = tpu.vector_load %arg16[%swap3A_232] {strides = array<i32>} : memref<6144xi32, #tpu.memory_space<vmem>>, vector<16xi32>,
        %swap3A_234 = vector.shape_cast %swap3A_233 : vector<16xi32> to vector<16xi32>
        %swap3A_235 = vector.shape_cast %add3A_227 : vector<16xi32> to vector<16xi32>
        tpu.vector_store %arg16[%swap3A_232], %swap3A_235 {strides = array<i32>} : memref<6144xi32, #tpu.memory_space<vmem>>, vector<16xi32>,
        %mul3A_236 = arith.constant 1 : i32
        %mul3A_237 = vector.broadcast %mul3A_236 : i32 to vector<16xi32>
        %mul3A_238 = arith.muli %mul3A_237, %select_n3A_206 : vector<16xi32>
        %add3A_239 = arith.addi %add3A_208, %mul3A_238 : vector<16xi32>
        %mul3A_240 = arith.constant 16 : i32
        %mul3A_241 = arith.muli %scan3A_119, %mul3A_240 : i32
        %add3A_242 = arith.constant 1024 : i32
        %add3A_243 = arith.addi %add3A_242, %mul3A_241 : i32
        %swap3A_244 = arith.index_cast %add3A_243 : i32 to index
        %swap3A_245 = tpu.vector_load %arg16[%swap3A_244] {strides = array<i32>} : memref<6144xi32, #tpu.memory_space<vmem>>, vector<16xi32>,
        %swap3A_246 = vector.shape_cast %swap3A_245 : vector<16xi32> to vector<16xi32>
        %swap3A_247 = vector.shape_cast %add3A_239 : vector<16xi32> to vector<16xi32>
        tpu.vector_store %arg16[%swap3A_244], %swap3A_247 {strides = array<i32>} : memref<6144xi32, #tpu.memory_space<vmem>>, vector<16xi32>,
        %mul3A_248 = arith.constant 1 : i32
        %mul3A_249 = vector.broadcast %mul3A_248 : i32 to vector<16xi32>
        %mul3A_250 = arith.muli %mul3A_249, %select_n3A_206 : vector<16xi32>
        %add3A_251 = arith.addi %add3A_211, %mul3A_250 : vector<16xi32>
        %mul3A_252 = arith.constant 16 : i32
        %mul3A_253 = arith.muli %scan3A_119, %mul3A_252 : i32
        %add3A_254 = arith.constant 4096 : i32
        %add3A_255 = arith.addi %add3A_254, %mul3A_253 : i32
        %swap3A_256 = arith.index_cast %add3A_255 : i32 to index
        %swap3A_257 = tpu.vector_load %arg16[%swap3A_256] {strides = array<i32>} : memref<6144xi32, #tpu.memory_space<vmem>>, vector<16xi32>,
        %swap3A_258 = vector.shape_cast %swap3A_257 : vector<16xi32> to vector<16xi32>
        %swap3A_259 = vector.shape_cast %add3A_251 : vector<16xi32> to vector<16xi32>
        tpu.vector_store %arg16[%swap3A_256], %swap3A_259 {strides = array<i32>} : memref<6144xi32, #tpu.memory_space<vmem>>, vector<16xi32>,
        %mul3A_260 = arith.constant 2 : i32
        %mul3A_261 = vector.broadcast %mul3A_260 : i32 to vector<16xi32>
        %mul3A_262 = arith.muli %mul3A_261, %select_n3A_206 : vector<16xi32>
        %add3A_263 = arith.addi %add3A_208, %mul3A_262 : vector<16xi32>
        %mul3A_264 = arith.constant 16 : i32
        %mul3A_265 = arith.muli %scan3A_119, %mul3A_264 : i32
        %add3A_266 = arith.constant 2048 : i32
        %add3A_267 = arith.addi %add3A_266, %mul3A_265 : i32
        %swap3A_268 = arith.index_cast %add3A_267 : i32 to index
        %swap3A_269 = tpu.vector_load %arg16[%swap3A_268] {strides = array<i32>} : memref<6144xi32, #tpu.memory_space<vmem>>, vector<16xi32>,
        %swap3A_270 = vector.shape_cast %swap3A_269 : vector<16xi32> to vector<16xi32>
        %swap3A_271 = vector.shape_cast %add3A_263 : vector<16xi32> to vector<16xi32>
        tpu.vector_store %arg16[%swap3A_268], %swap3A_271 {strides = array<i32>} : memref<6144xi32, #tpu.memory_space<vmem>>, vector<16xi32>,
        %mul3A_272 = arith.constant 2 : i32
        %mul3A_273 = vector.broadcast %mul3A_272 : i32 to vector<16xi32>
        %mul3A_274 = arith.muli %mul3A_273, %select_n3A_206 : vector<16xi32>
        %add3A_275 = arith.addi %add3A_211, %mul3A_274 : vector<16xi32>
        %mul3A_276 = arith.constant 16 : i32
        %mul3A_277 = arith.muli %scan3A_119, %mul3A_276 : i32
        %add3A_278 = arith.constant 5120 : i32
        %add3A_279 = arith.addi %add3A_278, %mul3A_277 : i32
        %swap3A_280 = arith.index_cast %add3A_279 : i32 to index
        %swap3A_281 = tpu.vector_load %arg16[%swap3A_280] {strides = array<i32>} : memref<6144xi32, #tpu.memory_space<vmem>>, vector<16xi32>,
        %swap3A_282 = vector.shape_cast %swap3A_281 : vector<16xi32> to vector<16xi32>
        %swap3A_283 = vector.shape_cast %add3A_275 : vector<16xi32> to vector<16xi32>
        tpu.vector_store %arg16[%swap3A_280], %swap3A_283 {strides = array<i32>} : memref<6144xi32, #tpu.memory_space<vmem>>, vector<16xi32>,
        %scan3A_284 = arith.constant 0 : i32
        scf.yield %scan3A_284 : i32
      }
      %scan3A_65 = arith.constant 64 : i32
      %scan3A_66 = arith.constant 0 : i32
      %scan3A_67 = arith.constant 0 : i32
      %scan3A_68 = arith.constant 48 : i32
      %scan3A_69 = arith.addi %scan3A_67, %scan3A_68 : i32
      %scan3A_70 = arith.constant 1 : i32
      %scan3A_71 = scf.for %scan3A_119 = %scan3A_67 to %scan3A_69 step %scan3A_70 iter_args(%scan3A_120 = %scan3A_66) -> (i32)  : i32 {
        %mul3A_121 = arith.constant 128 : i32
        %mul3A_122 = arith.muli %scan3A_119, %mul3A_121 : i32
        %dma_start3A = tpu.memref_slice %arg17[%mul3A_122] : memref<6144xi32, #tpu.memory_space<vmem>> -> memref<128xi32, #tpu.memory_space<vmem>>
        %dma_start3A_123 = tpu.memref_slice %arg16[%mul3A_122] : memref<6144xi32, #tpu.memory_space<vmem>> -> memref<128xi32, #tpu.memory_space<vmem>>
        %dma_start3A_124 = arith.constant 0 : i32
        %dma_start3A_125 = tpu.memref_slice %arg5[%dma_start3A_124] : memref<31457280xi32, #tpu.memory_space<hbm>> -> memref<31457280xi32, #tpu.memory_space<hbm>>
        tpu.enqueue_indirect_dma source(%dma_start3A_125 : memref<31457280xi32, #tpu.memory_space<hbm>>) target(%dma_start3A : memref<128xi32, #tpu.memory_space<vmem>>) offsets(%dma_start3A_123 : memref<128xi32, #tpu.memory_space<vmem>>) semaphore(%arg22 : memref<!tpu.dma_semaphore, #tpu.memory_space<semaphore_mem>>)
        %scan3A_126 = arith.constant 0 : i32
        scf.yield %scan3A_126 : i32
      }
      %scan3A_72 = arith.constant 48 : i32
      %dma_wait3A = arith.constant 0 : i32
      %dma_wait3A_73 = tpu.memref_slice %arg5[%dma_wait3A] : memref<31457280xi32, #tpu.memory_space<hbm>> -> memref<6144xi32, #tpu.memory_space<hbm>>
      %dma_wait3A_74 = arith.constant 0 : i32
      %dma_wait3A_75 = tpu.memref_slice %arg5[%dma_wait3A_74] : memref<31457280xi32, #tpu.memory_space<hbm>> -> memref<6144xi32, #tpu.memory_space<hbm>>
      tpu.wait_dma2 semaphore(%arg21 : memref<!tpu.dma_semaphore, #tpu.memory_space<semaphore_mem>>) src(%dma_wait3A_75 : memref<6144xi32, #tpu.memory_space<hbm>>) dst(%arg13 : memref<6144xi32, #tpu.memory_space<vmem>>)
      %scan3A_76 = arith.constant 0 : i32
      %scan3A_77 = arith.constant 0 : i32
      %scan3A_78 = arith.constant 64 : i32
      %scan3A_79 = arith.addi %scan3A_77, %scan3A_78 : i32
      %scan3A_80 = arith.constant 1 : i32
      %scan3A_81 = scf.for %scan3A_119 = %scan3A_77 to %scan3A_79 step %scan3A_80 iter_args(%scan3A_120 = %scan3A_76) -> (i32)  : i32 {
        %mul3A_121 = arith.constant 16 : i32
        %mul3A_122 = arith.muli %scan3A_119, %mul3A_121 : i32
        %get3A = arith.index_cast %mul3A_122 : i32 to index
        %get3A_123 = tpu.vector_load %arg10[%get3A] {strides = array<i32>} : memref<1024xf32, #tpu.memory_space<vmem>>, vector<16xf32>,
        %get3A_124 = vector.shape_cast %get3A_123 : vector<16xf32> to vector<16xf32>
        %get3A_125 = arith.index_cast %mul3A_122 : i32 to index
        %get3A_126 = tpu.vector_load %arg11[%get3A_125] {strides = array<i32>} : memref<1024xf32, #tpu.memory_space<vmem>>, vector<16xf32>,
        %get3A_127 = vector.shape_cast %get3A_126 : vector<16xf32> to vector<16xf32>
        %mul3A_128 = arith.constant 16 : i32
        %mul3A_129 = arith.muli %scan3A_119, %mul3A_128 : i32
        %add3A_130 = arith.constant 0 : i32
        %add3A_131 = arith.addi %add3A_130, %mul3A_129 : i32
        %get3A_132 = arith.index_cast %add3A_131 : i32 to index
        %get3A_133 = tpu.vector_load %arg13[%get3A_132] {strides = array<i32>} : memref<6144xi32, #tpu.memory_space<vmem>>, vector<16xi32>,
        %get3A_134 = vector.shape_cast %get3A_133 : vector<16xi32> to vector<16xi32>
        %mul3A_135 = arith.constant 16 : i32
        %mul3A_136 = arith.muli %scan3A_119, %mul3A_135 : i32
        %add3A_137 = arith.constant 3072 : i32
        %add3A_138 = arith.addi %add3A_137, %mul3A_136 : i32
        %get3A_139 = arith.index_cast %add3A_138 : i32 to index
        %get3A_140 = tpu.vector_load %arg13[%get3A_139] {strides = array<i32>} : memref<6144xi32, #tpu.memory_space<vmem>>, vector<16xi32>,
        %get3A_141 = vector.shape_cast %get3A_140 : vector<16xi32> to vector<16xi32>
        %shift_left3A = arith.constant 16 : i32
        %shift_left3A_142 = vector.broadcast %shift_left3A : i32 to vector<16xi32>
        %shift_left3A_143 = arith.shli %get3A_134, %shift_left3A_142 : vector<16xi32>
        %bitcast_convert_type3A = tpu.bitcast %shift_left3A_143 : vector<16xi32> -> vector<16xf32>
        %and3A_144 = arith.constant -65536 : i32
        %and3A_145 = vector.broadcast %and3A_144 : i32 to vector<16xi32>
        %and3A_146 = arith.andi %get3A_134, %and3A_145 : vector<16xi32>
        %bitcast_convert_type3A_147 = tpu.bitcast %and3A_146 : vector<16xi32> -> vector<16xf32>
        %shift_left3A_148 = arith.constant 16 : i32
        %shift_left3A_149 = vector.broadcast %shift_left3A_148 : i32 to vector<16xi32>
        %shift_left3A_150 = arith.shli %get3A_141, %shift_left3A_149 : vector<16xi32>
        %bitcast_convert_type3A_151 = tpu.bitcast %shift_left3A_150 : vector<16xi32> -> vector<16xf32>
        %and3A_152 = arith.constant -65536 : i32
        %and3A_153 = vector.broadcast %and3A_152 : i32 to vector<16xi32>
        %and3A_154 = arith.andi %get3A_141, %and3A_153 : vector<16xi32>
        %bitcast_convert_type3A_155 = tpu.bitcast %and3A_154 : vector<16xi32> -> vector<16xf32>
        %sub3A_156 = arith.subf %bitcast_convert_type3A_147, %bitcast_convert_type3A : vector<16xf32>
        %mul3A_157 = arith.mulf %get3A_124, %sub3A_156 : vector<16xf32>
        %add3A_158 = arith.addf %bitcast_convert_type3A, %mul3A_157 : vector<16xf32>
        %sub3A_159 = arith.subf %bitcast_convert_type3A_155, %bitcast_convert_type3A_151 : vector<16xf32>
        %mul3A_160 = arith.mulf %get3A_124, %sub3A_159 : vector<16xf32>
        %add3A_161 = arith.addf %bitcast_convert_type3A_151, %mul3A_160 : vector<16xf32>
        %sub3A_162 = arith.subf %add3A_161, %add3A_158 : vector<16xf32>
        %mul3A_163 = arith.mulf %get3A_127, %sub3A_162 : vector<16xf32>
        %add3A_164 = arith.addf %add3A_158, %mul3A_163 : vector<16xf32>
        %swap3A = arith.index_cast %mul3A_122 : i32 to index
        %swap3A_165 = tpu.vector_load %arg18[%swap3A] {strides = array<i32>} : memref<1024xf32, #tpu.memory_space<vmem>>, vector<16xf32>,
        %swap3A_166 = vector.shape_cast %swap3A_165 : vector<16xf32> to vector<16xf32>
        %swap3A_167 = vector.shape_cast %add3A_164 : vector<16xf32> to vector<16xf32>
        tpu.vector_store %arg18[%swap3A], %swap3A_167 {strides = array<i32>} : memref<1024xf32, #tpu.memory_space<vmem>>, vector<16xf32>,
        %mul3A_168 = arith.constant 16 : i32
        %mul3A_169 = arith.muli %scan3A_119, %mul3A_168 : i32
        %add3A_170 = arith.constant 1024 : i32
        %add3A_171 = arith.addi %add3A_170, %mul3A_169 : i32
        %get3A_172 = arith.index_cast %add3A_171 : i32 to index
        %get3A_173 = tpu.vector_load %arg13[%get3A_172] {strides = array<i32>} : memref<6144xi32, #tpu.memory_space<vmem>>, vector<16xi32>,
        %get3A_174 = vector.shape_cast %get3A_173 : vector<16xi32> to vector<16xi32>
        %mul3A_175 = arith.constant 16 : i32
        %mul3A_176 = arith.muli %scan3A_119, %mul3A_175 : i32
        %add3A_177 = arith.constant 4096 : i32
        %add3A_178 = arith.addi %add3A_177, %mul3A_176 : i32
        %get3A_179 = arith.index_cast %add3A_178 : i32 to index
        %get3A_180 = tpu.vector_load %arg13[%get3A_179] {strides = array<i32>} : memref<6144xi32, #tpu.memory_space<vmem>>, vector<16xi32>,
        %get3A_181 = vector.shape_cast %get3A_180 : vector<16xi32> to vector<16xi32>
        %shift_left3A_182 = arith.constant 16 : i32
        %shift_left3A_183 = vector.broadcast %shift_left3A_182 : i32 to vector<16xi32>
        %shift_left3A_184 = arith.shli %get3A_174, %shift_left3A_183 : vector<16xi32>
        %bitcast_convert_type3A_185 = tpu.bitcast %shift_left3A_184 : vector<16xi32> -> vector<16xf32>
        %and3A_186 = arith.constant -65536 : i32
        %and3A_187 = vector.broadcast %and3A_186 : i32 to vector<16xi32>
        %and3A_188 = arith.andi %get3A_174, %and3A_187 : vector<16xi32>
        %bitcast_convert_type3A_189 = tpu.bitcast %and3A_188 : vector<16xi32> -> vector<16xf32>
        %shift_left3A_190 = arith.constant 16 : i32
        %shift_left3A_191 = vector.broadcast %shift_left3A_190 : i32 to vector<16xi32>
        %shift_left3A_192 = arith.shli %get3A_181, %shift_left3A_191 : vector<16xi32>
        %bitcast_convert_type3A_193 = tpu.bitcast %shift_left3A_192 : vector<16xi32> -> vector<16xf32>
        %and3A_194 = arith.constant -65536 : i32
        %and3A_195 = vector.broadcast %and3A_194 : i32 to vector<16xi32>
        %and3A_196 = arith.andi %get3A_181, %and3A_195 : vector<16xi32>
        %bitcast_convert_type3A_197 = tpu.bitcast %and3A_196 : vector<16xi32> -> vector<16xf32>
        %sub3A_198 = arith.subf %bitcast_convert_type3A_189, %bitcast_convert_type3A_185 : vector<16xf32>
        %mul3A_199 = arith.mulf %get3A_124, %sub3A_198 : vector<16xf32>
        %add3A_200 = arith.addf %bitcast_convert_type3A_185, %mul3A_199 : vector<16xf32>
        %sub3A_201 = arith.subf %bitcast_convert_type3A_197, %bitcast_convert_type3A_193 : vector<16xf32>
        %mul3A_202 = arith.mulf %get3A_124, %sub3A_201 : vector<16xf32>
        %add3A_203 = arith.addf %bitcast_convert_type3A_193, %mul3A_202 : vector<16xf32>
        %sub3A_204 = arith.subf %add3A_203, %add3A_200 : vector<16xf32>
        %mul3A_205 = arith.mulf %get3A_127, %sub3A_204 : vector<16xf32>
        %add3A_206 = arith.addf %add3A_200, %mul3A_205 : vector<16xf32>
        %swap3A_207 = arith.index_cast %mul3A_122 : i32 to index
        %swap3A_208 = tpu.vector_load %arg19[%swap3A_207] {strides = array<i32>} : memref<1024xf32, #tpu.memory_space<vmem>>, vector<16xf32>,
        %swap3A_209 = vector.shape_cast %swap3A_208 : vector<16xf32> to vector<16xf32>
        %swap3A_210 = vector.shape_cast %add3A_206 : vector<16xf32> to vector<16xf32>
        tpu.vector_store %arg19[%swap3A_207], %swap3A_210 {strides = array<i32>} : memref<1024xf32, #tpu.memory_space<vmem>>, vector<16xf32>,
        %mul3A_211 = arith.constant 16 : i32
        %mul3A_212 = arith.muli %scan3A_119, %mul3A_211 : i32
        %add3A_213 = arith.constant 2048 : i32
        %add3A_214 = arith.addi %add3A_213, %mul3A_212 : i32
        %get3A_215 = arith.index_cast %add3A_214 : i32 to index
        %get3A_216 = tpu.vector_load %arg13[%get3A_215] {strides = array<i32>} : memref<6144xi32, #tpu.memory_space<vmem>>, vector<16xi32>,
        %get3A_217 = vector.shape_cast %get3A_216 : vector<16xi32> to vector<16xi32>
        %mul3A_218 = arith.constant 16 : i32
        %mul3A_219 = arith.muli %scan3A_119, %mul3A_218 : i32
        %add3A_220 = arith.constant 5120 : i32
        %add3A_221 = arith.addi %add3A_220, %mul3A_219 : i32
        %get3A_222 = arith.index_cast %add3A_221 : i32 to index
        %get3A_223 = tpu.vector_load %arg13[%get3A_222] {strides = array<i32>} : memref<6144xi32, #tpu.memory_space<vmem>>, vector<16xi32>,
        %get3A_224 = vector.shape_cast %get3A_223 : vector<16xi32> to vector<16xi32>
        %shift_left3A_225 = arith.constant 16 : i32
        %shift_left3A_226 = vector.broadcast %shift_left3A_225 : i32 to vector<16xi32>
        %shift_left3A_227 = arith.shli %get3A_217, %shift_left3A_226 : vector<16xi32>
        %bitcast_convert_type3A_228 = tpu.bitcast %shift_left3A_227 : vector<16xi32> -> vector<16xf32>
        %and3A_229 = arith.constant -65536 : i32
        %and3A_230 = vector.broadcast %and3A_229 : i32 to vector<16xi32>
        %and3A_231 = arith.andi %get3A_217, %and3A_230 : vector<16xi32>
        %bitcast_convert_type3A_232 = tpu.bitcast %and3A_231 : vector<16xi32> -> vector<16xf32>
        %shift_left3A_233 = arith.constant 16 : i32
        %shift_left3A_234 = vector.broadcast %shift_left3A_233 : i32 to vector<16xi32>
        %shift_left3A_235 = arith.shli %get3A_224, %shift_left3A_234 : vector<16xi32>
        %bitcast_convert_type3A_236 = tpu.bitcast %shift_left3A_235 : vector<16xi32> -> vector<16xf32>
        %and3A_237 = arith.constant -65536 : i32
        %and3A_238 = vector.broadcast %and3A_237 : i32 to vector<16xi32>
        %and3A_239 = arith.andi %get3A_224, %and3A_238 : vector<16xi32>
        %bitcast_convert_type3A_240 = tpu.bitcast %and3A_239 : vector<16xi32> -> vector<16xf32>
        %sub3A_241 = arith.subf %bitcast_convert_type3A_232, %bitcast_convert_type3A_228 : vector<16xf32>
        %mul3A_242 = arith.mulf %get3A_124, %sub3A_241 : vector<16xf32>
        %add3A_243 = arith.addf %bitcast_convert_type3A_228, %mul3A_242 : vector<16xf32>
        %sub3A_244 = arith.subf %bitcast_convert_type3A_240, %bitcast_convert_type3A_236 : vector<16xf32>
        %mul3A_245 = arith.mulf %get3A_124, %sub3A_244 : vector<16xf32>
        %add3A_246 = arith.addf %bitcast_convert_type3A_236, %mul3A_245 : vector<16xf32>
        %sub3A_247 = arith.subf %add3A_246, %add3A_243 : vector<16xf32>
        %mul3A_248 = arith.mulf %get3A_127, %sub3A_247 : vector<16xf32>
        %add3A_249 = arith.addf %add3A_243, %mul3A_248 : vector<16xf32>
        %swap3A_250 = arith.index_cast %mul3A_122 : i32 to index
        %swap3A_251 = tpu.vector_load %arg20[%swap3A_250] {strides = array<i32>} : memref<1024xf32, #tpu.memory_space<vmem>>, vector<16xf32>,
        %swap3A_252 = vector.shape_cast %swap3A_251 : vector<16xf32> to vector<16xf32>
        %swap3A_253 = vector.shape_cast %add3A_249 : vector<16xf32> to vector<16xf32>
        tpu.vector_store %arg20[%swap3A_250], %swap3A_253 {strides = array<i32>} : memref<1024xf32, #tpu.memory_space<vmem>>, vector<16xf32>,
        %scan3A_254 = arith.constant 0 : i32
        scf.yield %scan3A_254 : i32
      }
      %scan3A_82 = arith.constant 64 : i32
      %mul3A_83 = arith.constant 1024 : i32
      %mul3A_84 = arith.muli %mul3A_51, %mul3A_83 : i32
      %add3A_85 = arith.addi %sub3A_21, %mul3A_84 : i32
      %add3A_86 = arith.addi %mul3A_23, %add3A_85 : i32
      "tpu.region"() ({
        %run_scoped3A = tpu.sem_alloc : memref<!tpu.dma_semaphore, #tpu.memory_space<semaphore_mem>>
        %dma_start3A = tpu.memref_slice %arg6[%add3A_86] : memref<3145728xf32, #tpu.memory_space<hbm>> -> memref<1024xf32, #tpu.memory_space<hbm>>
        %dma_start3A_119 = tpu.memref_slice %arg6[%add3A_86] : memref<3145728xf32, #tpu.memory_space<hbm>> -> memref<1024xf32, #tpu.memory_space<hbm>>
        tpu.enqueue_dma source(%arg18 : memref<1024xf32, #tpu.memory_space<vmem>>) target(%dma_start3A_119 : memref<1024xf32, #tpu.memory_space<hbm>>) target_semaphore(%run_scoped3A : memref<!tpu.dma_semaphore, #tpu.memory_space<semaphore_mem>>)
        %dma_wait3A_120 = tpu.memref_slice %arg6[%add3A_86] : memref<3145728xf32, #tpu.memory_space<hbm>> -> memref<1024xf32, #tpu.memory_space<hbm>>
        %dma_wait3A_121 = tpu.memref_slice %arg6[%add3A_86] : memref<3145728xf32, #tpu.memory_space<hbm>> -> memref<1024xf32, #tpu.memory_space<hbm>>
        tpu.wait_dma2 semaphore(%run_scoped3A : memref<!tpu.dma_semaphore, #tpu.memory_space<semaphore_mem>>) src(%arg18 : memref<1024xf32, #tpu.memory_space<vmem>>) dst(%dma_wait3A_121 : memref<1024xf32, #tpu.memory_space<hbm>>)
        tpu.yield
      }) : () -> ()
      %add3A_87 = arith.constant 262144 : i32
      %add3A_88 = arith.addi %mul3A_23, %add3A_87 : i32
      %add3A_89 = arith.addi %add3A_88, %add3A_85 : i32
      "tpu.region"() ({
        %run_scoped3A = tpu.sem_alloc : memref<!tpu.dma_semaphore, #tpu.memory_space<semaphore_mem>>
        %dma_start3A = tpu.memref_slice %arg6[%add3A_89] : memref<3145728xf32, #tpu.memory_space<hbm>> -> memref<1024xf32, #tpu.memory_space<hbm>>
        %dma_start3A_119 = tpu.memref_slice %arg6[%add3A_89] : memref<3145728xf32, #tpu.memory_space<hbm>> -> memref<1024xf32, #tpu.memory_space<hbm>>
        tpu.enqueue_dma source(%arg19 : memref<1024xf32, #tpu.memory_space<vmem>>) target(%dma_start3A_119 : memref<1024xf32, #tpu.memory_space<hbm>>) target_semaphore(%run_scoped3A : memref<!tpu.dma_semaphore, #tpu.memory_space<semaphore_mem>>)
        %dma_wait3A_120 = tpu.memref_slice %arg6[%add3A_89] : memref<3145728xf32, #tpu.memory_space<hbm>> -> memref<1024xf32, #tpu.memory_space<hbm>>
        %dma_wait3A_121 = tpu.memref_slice %arg6[%add3A_89] : memref<3145728xf32, #tpu.memory_space<hbm>> -> memref<1024xf32, #tpu.memory_space<hbm>>
        tpu.wait_dma2 semaphore(%run_scoped3A : memref<!tpu.dma_semaphore, #tpu.memory_space<semaphore_mem>>) src(%arg19 : memref<1024xf32, #tpu.memory_space<vmem>>) dst(%dma_wait3A_121 : memref<1024xf32, #tpu.memory_space<hbm>>)
        tpu.yield
      }) : () -> ()
      %add3A_90 = arith.constant 524288 : i32
      %add3A_91 = arith.addi %mul3A_23, %add3A_90 : i32
      %add3A_92 = arith.addi %add3A_91, %add3A_85 : i32
      "tpu.region"() ({
        %run_scoped3A = tpu.sem_alloc : memref<!tpu.dma_semaphore, #tpu.memory_space<semaphore_mem>>
        %dma_start3A = tpu.memref_slice %arg6[%add3A_92] : memref<3145728xf32, #tpu.memory_space<hbm>> -> memref<1024xf32, #tpu.memory_space<hbm>>
        %dma_start3A_119 = tpu.memref_slice %arg6[%add3A_92] : memref<3145728xf32, #tpu.memory_space<hbm>> -> memref<1024xf32, #tpu.memory_space<hbm>>
        tpu.enqueue_dma source(%arg20 : memref<1024xf32, #tpu.memory_space<vmem>>) target(%dma_start3A_119 : memref<1024xf32, #tpu.memory_space<hbm>>) target_semaphore(%run_scoped3A : memref<!tpu.dma_semaphore, #tpu.memory_space<semaphore_mem>>)
        %dma_wait3A_120 = tpu.memref_slice %arg6[%add3A_92] : memref<3145728xf32, #tpu.memory_space<hbm>> -> memref<1024xf32, #tpu.memory_space<hbm>>
        %dma_wait3A_121 = tpu.memref_slice %arg6[%add3A_92] : memref<3145728xf32, #tpu.memory_space<hbm>> -> memref<1024xf32, #tpu.memory_space<hbm>>
        tpu.wait_dma2 semaphore(%run_scoped3A : memref<!tpu.dma_semaphore, #tpu.memory_space<semaphore_mem>>) src(%arg20 : memref<1024xf32, #tpu.memory_space<vmem>>) dst(%dma_wait3A_121 : memref<1024xf32, #tpu.memory_space<hbm>>)
        tpu.yield
      }) : () -> ()
      %lt3A = arith.constant 15 : i32
      %lt3A_93 = arith.cmpi slt, %scan3A_48, %lt3A : i32
      %convert_element_type3A = arith.extui %lt3A_93 : i1 to i32
      %cond3A = arith.constant 0 : i32
      %cond3A_94 = arith.cmpi ne, %convert_element_type3A, %cond3A : i32
      scf.if %cond3A_94 {
        %add3A_119 = arith.constant 2 : i32
        %add3A_120 = arith.addi %mul3A_51, %add3A_119 : i32
        %mul3A_121 = arith.constant 32768 : i32
        %mul3A_122 = arith.muli %add3A, %mul3A_121 : i32
        %mul3A_123 = arith.constant 1024 : i32
        %mul3A_124 = arith.muli %add3A_120, %mul3A_123 : i32
        %add3A_125 = arith.addi %mul3A_122, %mul3A_124 : i32
        "tpu.region"() ({
          %run_scoped3A = tpu.sem_alloc : memref<!tpu.dma_semaphore, #tpu.memory_space<semaphore_mem>>
          %dma_start3A = tpu.memref_slice %arg2[%add3A_125] : memref<1048576xf32, #tpu.memory_space<hbm>> -> memref<1024xf32, #tpu.memory_space<hbm>>
          %dma_start3A_140 = tpu.memref_slice %arg2[%add3A_125] : memref<1048576xf32, #tpu.memory_space<hbm>> -> memref<1024xf32, #tpu.memory_space<hbm>>
          tpu.enqueue_dma source(%dma_start3A_140 : memref<1024xf32, #tpu.memory_space<hbm>>) target(%arg7 : memref<1024xf32, #tpu.memory_space<vmem>>) target_semaphore(%run_scoped3A : memref<!tpu.dma_semaphore, #tpu.memory_space<semaphore_mem>>)
          %dma_wait3A_141 = tpu.memref_slice %arg2[%add3A_125] : memref<1048576xf32, #tpu.memory_space<hbm>> -> memref<1024xf32, #tpu.memory_space<hbm>>
          %dma_wait3A_142 = tpu.memref_slice %arg2[%add3A_125] : memref<1048576xf32, #tpu.memory_space<hbm>> -> memref<1024xf32, #tpu.memory_space<hbm>>
          tpu.wait_dma2 semaphore(%run_scoped3A : memref<!tpu.dma_semaphore, #tpu.memory_space<semaphore_mem>>) src(%dma_wait3A_142 : memref<1024xf32, #tpu.memory_space<hbm>>) dst(%arg7 : memref<1024xf32, #tpu.memory_space<vmem>>)
          tpu.yield
        }) : () -> ()
        "tpu.region"() ({
          %run_scoped3A = tpu.sem_alloc : memref<!tpu.dma_semaphore, #tpu.memory_space<semaphore_mem>>
          %dma_start3A = tpu.memref_slice %arg3[%add3A_125] : memref<1048576xf32, #tpu.memory_space<hbm>> -> memref<1024xf32, #tpu.memory_space<hbm>>
          %dma_start3A_140 = tpu.memref_slice %arg3[%add3A_125] : memref<1048576xf32, #tpu.memory_space<hbm>> -> memref<1024xf32, #tpu.memory_space<hbm>>
          tpu.enqueue_dma source(%dma_start3A_140 : memref<1024xf32, #tpu.memory_space<hbm>>) target(%arg8 : memref<1024xf32, #tpu.memory_space<vmem>>) target_semaphore(%run_scoped3A : memref<!tpu.dma_semaphore, #tpu.memory_space<semaphore_mem>>)
          %dma_wait3A_141 = tpu.memref_slice %arg3[%add3A_125] : memref<1048576xf32, #tpu.memory_space<hbm>> -> memref<1024xf32, #tpu.memory_space<hbm>>
          %dma_wait3A_142 = tpu.memref_slice %arg3[%add3A_125] : memref<1048576xf32, #tpu.memory_space<hbm>> -> memref<1024xf32, #tpu.memory_space<hbm>>
          tpu.wait_dma2 semaphore(%run_scoped3A : memref<!tpu.dma_semaphore, #tpu.memory_space<semaphore_mem>>) src(%dma_wait3A_142 : memref<1024xf32, #tpu.memory_space<hbm>>) dst(%arg8 : memref<1024xf32, #tpu.memory_space<vmem>>)
          tpu.yield
        }) : () -> ()
        "tpu.region"() ({
          %run_scoped3A = tpu.sem_alloc : memref<!tpu.dma_semaphore, #tpu.memory_space<semaphore_mem>>
          %dma_start3A = tpu.memref_slice %arg4[%add3A_125] : memref<1048576xi32, #tpu.memory_space<hbm>> -> memref<1024xi32, #tpu.memory_space<hbm>>
          %dma_start3A_140 = tpu.memref_slice %arg4[%add3A_125] : memref<1048576xi32, #tpu.memory_space<hbm>> -> memref<1024xi32, #tpu.memory_space<hbm>>
          tpu.enqueue_dma source(%dma_start3A_140 : memref<1024xi32, #tpu.memory_space<hbm>>) target(%arg9 : memref<1024xi32, #tpu.memory_space<vmem>>) target_semaphore(%run_scoped3A : memref<!tpu.dma_semaphore, #tpu.memory_space<semaphore_mem>>)
          %dma_wait3A_141 = tpu.memref_slice %arg4[%add3A_125] : memref<1048576xi32, #tpu.memory_space<hbm>> -> memref<1024xi32, #tpu.memory_space<hbm>>
          %dma_wait3A_142 = tpu.memref_slice %arg4[%add3A_125] : memref<1048576xi32, #tpu.memory_space<hbm>> -> memref<1024xi32, #tpu.memory_space<hbm>>
          tpu.wait_dma2 semaphore(%run_scoped3A : memref<!tpu.dma_semaphore, #tpu.memory_space<semaphore_mem>>) src(%dma_wait3A_142 : memref<1024xi32, #tpu.memory_space<hbm>>) dst(%arg9 : memref<1024xi32, #tpu.memory_space<vmem>>)
          tpu.yield
        }) : () -> ()
        %scan3A_126 = arith.constant 0 : i32
        %scan3A_127 = arith.constant 0 : i32
        %scan3A_128 = arith.constant 64 : i32
        %scan3A_129 = arith.addi %scan3A_127, %scan3A_128 : i32
        %scan3A_130 = arith.constant 1 : i32
        %scan3A_131 = scf.for %scan3A_140 = %scan3A_127 to %scan3A_129 step %scan3A_130 iter_args(%scan3A_141 = %scan3A_126) -> (i32)  : i32 {
          %mul3A_142 = arith.constant 16 : i32
          %mul3A_143 = arith.muli %scan3A_140, %mul3A_142 : i32
          %get3A = arith.index_cast %mul3A_143 : i32 to index
          %get3A_144 = tpu.vector_load %arg7[%get3A] {strides = array<i32>} : memref<1024xf32, #tpu.memory_space<vmem>>, vector<16xf32>,
          %get3A_145 = vector.shape_cast %get3A_144 : vector<16xf32> to vector<16xf32>
          %get3A_146 = arith.index_cast %mul3A_143 : i32 to index
          %get3A_147 = tpu.vector_load %arg8[%get3A_146] {strides = array<i32>} : memref<1024xf32, #tpu.memory_space<vmem>>, vector<16xf32>,
          %get3A_148 = vector.shape_cast %get3A_147 : vector<16xf32> to vector<16xf32>
          %get3A_149 = arith.index_cast %mul3A_143 : i32 to index
          %get3A_150 = tpu.vector_load %arg9[%get3A_149] {strides = array<i32>} : memref<1024xi32, #tpu.memory_space<vmem>>, vector<16xi32>,
          %get3A_151 = vector.shape_cast %get3A_150 : vector<16xi32> to vector<16xi32>
          %shift_right_arithmetic3A = arith.constant 1 : i32
          %shift_right_arithmetic3A_152 = vector.broadcast %shift_right_arithmetic3A : i32 to vector<16xi32>
          %shift_right_arithmetic3A_153 = arith.shrsi %get3A_151, %shift_right_arithmetic3A_152 : vector<16xi32>
          %eq3A = arith.constant 0 : i32
          %eq3A_154 = vector.broadcast %eq3A : i32 to vector<16xi32>
          %eq3A_155 = arith.cmpi eq, %shift_right_arithmetic3A_153, %eq3A_154 : vector<16xi32>
          %jit3A_156 = arith.constant 2.047000e+03 : f32
          %jit3A_157 = arith.constant 1.023000e+03 : f32
          %broadcast_in_dim3A = vector.broadcast %jit3A_156 : f32 to vector<16xf32>
          %broadcast_in_dim3A_158 = vector.broadcast %jit3A_157 : f32 to vector<16xf32>
          %select_n3A_159 = arith.select %eq3A_155, %broadcast_in_dim3A, %broadcast_in_dim3A_158 : vector<16xi1>, vector<16xf32>
          %add3A_160 = arith.constant 1.000000e+00 : f32
          %add3A_161 = vector.broadcast %add3A_160 : f32 to vector<16xf32>
          %add3A_162 = arith.addf %get3A_145, %add3A_161 : vector<16xf32>
          %mul3A_163 = arith.constant 5.000000e-01 : f32
          %mul3A_164 = vector.broadcast %mul3A_163 : f32 to vector<16xf32>
          %mul3A_165 = arith.mulf %add3A_162, %mul3A_164 : vector<16xf32>
          %mul3A_166 = arith.mulf %mul3A_165, %select_n3A_159 : vector<16xf32>
          %jit3A_167 = arith.constant 0.000000e+00 : f32
          %max3A = vector.broadcast %jit3A_167 : f32 to vector<16xf32>
          %max3A_168 = arith.maximumf %max3A, %mul3A_166 : vector<16xf32>
          %min3A = arith.minimumf %select_n3A_159, %max3A_168 : vector<16xf32>
          %add3A_169 = arith.constant 1.000000e+00 : f32
          %add3A_170 = vector.broadcast %add3A_169 : f32 to vector<16xf32>
          %add3A_171 = arith.addf %get3A_148, %add3A_170 : vector<16xf32>
          %mul3A_172 = arith.constant 5.000000e-01 : f32
          %mul3A_173 = vector.broadcast %mul3A_172 : f32 to vector<16xf32>
          %mul3A_174 = arith.mulf %add3A_171, %mul3A_173 : vector<16xf32>
          %mul3A_175 = arith.mulf %mul3A_174, %select_n3A_159 : vector<16xf32>
          %jit3A_176 = arith.constant 0.000000e+00 : f32
          %max3A_177 = vector.broadcast %jit3A_176 : f32 to vector<16xf32>
          %max3A_178 = arith.maximumf %max3A_177, %mul3A_175 : vector<16xf32>
          %min3A_179 = arith.minimumf %select_n3A_159, %max3A_178 : vector<16xf32>
          %convert_element_type3A_180 = arith.fptosi %min3A : vector<16xf32> to vector<16xi32>
          %convert_element_type3A_181 = arith.fptosi %min3A_179 : vector<16xf32> to vector<16xi32>
          %convert_element_type3A_182 = arith.sitofp %convert_element_type3A_180 : vector<16xi32> to vector<16xf32>
          %sub3A_183 = arith.subf %min3A, %convert_element_type3A_182 : vector<16xf32>
          %swap3A = arith.index_cast %mul3A_143 : i32 to index
          %swap3A_184 = tpu.vector_load %arg10[%swap3A] {strides = array<i32>} : memref<1024xf32, #tpu.memory_space<vmem>>, vector<16xf32>,
          %swap3A_185 = vector.shape_cast %swap3A_184 : vector<16xf32> to vector<16xf32>
          %swap3A_186 = vector.shape_cast %sub3A_183 : vector<16xf32> to vector<16xf32>
          tpu.vector_store %arg10[%swap3A], %swap3A_186 {strides = array<i32>} : memref<1024xf32, #tpu.memory_space<vmem>>, vector<16xf32>,
          %convert_element_type3A_187 = arith.sitofp %convert_element_type3A_181 : vector<16xi32> to vector<16xf32>
          %sub3A_188 = arith.subf %min3A_179, %convert_element_type3A_187 : vector<16xf32>
          %swap3A_189 = arith.index_cast %mul3A_143 : i32 to index
          %swap3A_190 = tpu.vector_load %arg11[%swap3A_189] {strides = array<i32>} : memref<1024xf32, #tpu.memory_space<vmem>>, vector<16xf32>,
          %swap3A_191 = vector.shape_cast %swap3A_190 : vector<16xf32> to vector<16xf32>
          %swap3A_192 = vector.shape_cast %sub3A_188 : vector<16xf32> to vector<16xf32>
          tpu.vector_store %arg11[%swap3A_189], %swap3A_192 {strides = array<i32>} : memref<1024xf32, #tpu.memory_space<vmem>>, vector<16xf32>,
          %eq3A_193 = arith.constant 0 : i32
          %eq3A_194 = vector.broadcast %eq3A_193 : i32 to vector<16xi32>
          %eq3A_195 = arith.cmpi eq, %shift_right_arithmetic3A_153, %eq3A_194 : vector<16xi32>
          %jit3A_196 = arith.constant 2047 : i32
          %jit3A_197 = arith.constant 1023 : i32
          %broadcast_in_dim3A_198 = vector.broadcast %jit3A_196 : i32 to vector<16xi32>
          %broadcast_in_dim3A_199 = vector.broadcast %jit3A_197 : i32 to vector<16xi32>
          %select_n3A_200 = arith.select %eq3A_195, %broadcast_in_dim3A_198, %broadcast_in_dim3A_199 : vector<16xi1>, vector<16xi32>
          %add3A_201 = arith.constant 1 : i32
          %add3A_202 = vector.broadcast %add3A_201 : i32 to vector<16xi32>
          %add3A_203 = arith.addi %convert_element_type3A_181, %add3A_202 : vector<16xi32>
          %min3A_204 = arith.minsi %add3A_203, %select_n3A_200 : vector<16xi32>
          %sub3A_205 = arith.constant 11 : i32
          %sub3A_206 = vector.broadcast %sub3A_205 : i32 to vector<16xi32>
          %sub3A_207 = arith.subi %sub3A_206, %shift_right_arithmetic3A_153 : vector<16xi32>
          %mul3A_208 = arith.constant 12582912 : i32
          %mul3A_209 = vector.broadcast %mul3A_208 : i32 to vector<16xi32>
          %mul3A_210 = arith.muli %get3A_151, %mul3A_209 : vector<16xi32>
          %eq3A_211 = arith.constant 3 : i32
          %eq3A_212 = vector.broadcast %eq3A_211 : i32 to vector<16xi32>
          %eq3A_213 = arith.cmpi eq, %get3A_151, %eq3A_212 : vector<16xi32>
          %jit3A_214 = arith.constant 9437184 : i32
          %jit3A_215 = arith.constant 0 : i32
          %broadcast_in_dim3A_216 = vector.broadcast %jit3A_214 : i32 to vector<16xi32>
          %broadcast_in_dim3A_217 = vector.broadcast %jit3A_215 : i32 to vector<16xi32>
          %select_n3A_218 = arith.select %eq3A_213, %broadcast_in_dim3A_216, %broadcast_in_dim3A_217 : vector<16xi1>, vector<16xi32>
          %sub3A_219 = arith.subi %mul3A_210, %select_n3A_218 : vector<16xi32>
          %eq3A_220 = arith.constant 0 : i32
          %eq3A_221 = vector.broadcast %eq3A_220 : i32 to vector<16xi32>
          %eq3A_222 = arith.cmpi eq, %shift_right_arithmetic3A_153, %eq3A_221 : vector<16xi32>
          %jit3A_223 = arith.constant 4194304 : i32
          %jit3A_224 = arith.constant 1048576 : i32
          %broadcast_in_dim3A_225 = vector.broadcast %jit3A_223 : i32 to vector<16xi32>
          %broadcast_in_dim3A_226 = vector.broadcast %jit3A_224 : i32 to vector<16xi32>
          %select_n3A_227 = arith.select %eq3A_222, %broadcast_in_dim3A_225, %broadcast_in_dim3A_226 : vector<16xi1>, vector<16xi32>
          %shift_left3A = arith.shli %convert_element_type3A_181, %sub3A_207 : vector<16xi32>
          %add3A_228 = arith.addi %sub3A_219, %shift_left3A : vector<16xi32>
          %add3A_229 = arith.addi %add3A_228, %convert_element_type3A_180 : vector<16xi32>
          %shift_left3A_230 = arith.shli %min3A_204, %sub3A_207 : vector<16xi32>
          %add3A_231 = arith.addi %sub3A_219, %shift_left3A_230 : vector<16xi32>
          %add3A_232 = arith.addi %add3A_231, %convert_element_type3A_180 : vector<16xi32>
          %mul3A_233 = arith.constant 0 : i32
          %mul3A_234 = vector.broadcast %mul3A_233 : i32 to vector<16xi32>
          %mul3A_235 = arith.muli %mul3A_234, %select_n3A_227 : vector<16xi32>
          %add3A_236 = arith.addi %add3A_229, %mul3A_235 : vector<16xi32>
          %mul3A_237 = arith.constant 16 : i32
          %mul3A_238 = arith.muli %scan3A_140, %mul3A_237 : i32
          %add3A_239 = arith.constant 0 : i32
          %add3A_240 = arith.addi %add3A_239, %mul3A_238 : i32
          %swap3A_241 = arith.index_cast %add3A_240 : i32 to index
          %swap3A_242 = tpu.vector_load %arg12[%swap3A_241] {strides = array<i32>} : memref<6144xi32, #tpu.memory_space<vmem>>, vector<16xi32>,
          %swap3A_243 = vector.shape_cast %swap3A_242 : vector<16xi32> to vector<16xi32>
          %swap3A_244 = vector.shape_cast %add3A_236 : vector<16xi32> to vector<16xi32>
          tpu.vector_store %arg12[%swap3A_241], %swap3A_244 {strides = array<i32>} : memref<6144xi32, #tpu.memory_space<vmem>>, vector<16xi32>,
          %mul3A_245 = arith.constant 0 : i32
          %mul3A_246 = vector.broadcast %mul3A_245 : i32 to vector<16xi32>
          %mul3A_247 = arith.muli %mul3A_246, %select_n3A_227 : vector<16xi32>
          %add3A_248 = arith.addi %add3A_232, %mul3A_247 : vector<16xi32>
          %mul3A_249 = arith.constant 16 : i32
          %mul3A_250 = arith.muli %scan3A_140, %mul3A_249 : i32
          %add3A_251 = arith.constant 3072 : i32
          %add3A_252 = arith.addi %add3A_251, %mul3A_250 : i32
          %swap3A_253 = arith.index_cast %add3A_252 : i32 to index
          %swap3A_254 = tpu.vector_load %arg12[%swap3A_253] {strides = array<i32>} : memref<6144xi32, #tpu.memory_space<vmem>>, vector<16xi32>,
          %swap3A_255 = vector.shape_cast %swap3A_254 : vector<16xi32> to vector<16xi32>
          %swap3A_256 = vector.shape_cast %add3A_248 : vector<16xi32> to vector<16xi32>
          tpu.vector_store %arg12[%swap3A_253], %swap3A_256 {strides = array<i32>} : memref<6144xi32, #tpu.memory_space<vmem>>, vector<16xi32>,
          %mul3A_257 = arith.constant 1 : i32
          %mul3A_258 = vector.broadcast %mul3A_257 : i32 to vector<16xi32>
          %mul3A_259 = arith.muli %mul3A_258, %select_n3A_227 : vector<16xi32>
          %add3A_260 = arith.addi %add3A_229, %mul3A_259 : vector<16xi32>
          %mul3A_261 = arith.constant 16 : i32
          %mul3A_262 = arith.muli %scan3A_140, %mul3A_261 : i32
          %add3A_263 = arith.constant 1024 : i32
          %add3A_264 = arith.addi %add3A_263, %mul3A_262 : i32
          %swap3A_265 = arith.index_cast %add3A_264 : i32 to index
          %swap3A_266 = tpu.vector_load %arg12[%swap3A_265] {strides = array<i32>} : memref<6144xi32, #tpu.memory_space<vmem>>, vector<16xi32>,
          %swap3A_267 = vector.shape_cast %swap3A_266 : vector<16xi32> to vector<16xi32>
          %swap3A_268 = vector.shape_cast %add3A_260 : vector<16xi32> to vector<16xi32>
          tpu.vector_store %arg12[%swap3A_265], %swap3A_268 {strides = array<i32>} : memref<6144xi32, #tpu.memory_space<vmem>>, vector<16xi32>,
          %mul3A_269 = arith.constant 1 : i32
          %mul3A_270 = vector.broadcast %mul3A_269 : i32 to vector<16xi32>
          %mul3A_271 = arith.muli %mul3A_270, %select_n3A_227 : vector<16xi32>
          %add3A_272 = arith.addi %add3A_232, %mul3A_271 : vector<16xi32>
          %mul3A_273 = arith.constant 16 : i32
          %mul3A_274 = arith.muli %scan3A_140, %mul3A_273 : i32
          %add3A_275 = arith.constant 4096 : i32
          %add3A_276 = arith.addi %add3A_275, %mul3A_274 : i32
          %swap3A_277 = arith.index_cast %add3A_276 : i32 to index
          %swap3A_278 = tpu.vector_load %arg12[%swap3A_277] {strides = array<i32>} : memref<6144xi32, #tpu.memory_space<vmem>>, vector<16xi32>,
          %swap3A_279 = vector.shape_cast %swap3A_278 : vector<16xi32> to vector<16xi32>
          %swap3A_280 = vector.shape_cast %add3A_272 : vector<16xi32> to vector<16xi32>
          tpu.vector_store %arg12[%swap3A_277], %swap3A_280 {strides = array<i32>} : memref<6144xi32, #tpu.memory_space<vmem>>, vector<16xi32>,
          %mul3A_281 = arith.constant 2 : i32
          %mul3A_282 = vector.broadcast %mul3A_281 : i32 to vector<16xi32>
          %mul3A_283 = arith.muli %mul3A_282, %select_n3A_227 : vector<16xi32>
          %add3A_284 = arith.addi %add3A_229, %mul3A_283 : vector<16xi32>
          %mul3A_285 = arith.constant 16 : i32
          %mul3A_286 = arith.muli %scan3A_140, %mul3A_285 : i32
          %add3A_287 = arith.constant 2048 : i32
          %add3A_288 = arith.addi %add3A_287, %mul3A_286 : i32
          %swap3A_289 = arith.index_cast %add3A_288 : i32 to index
          %swap3A_290 = tpu.vector_load %arg12[%swap3A_289] {strides = array<i32>} : memref<6144xi32, #tpu.memory_space<vmem>>, vector<16xi32>,
          %swap3A_291 = vector.shape_cast %swap3A_290 : vector<16xi32> to vector<16xi32>
          %swap3A_292 = vector.shape_cast %add3A_284 : vector<16xi32> to vector<16xi32>
          tpu.vector_store %arg12[%swap3A_289], %swap3A_292 {strides = array<i32>} : memref<6144xi32, #tpu.memory_space<vmem>>, vector<16xi32>,
          %mul3A_293 = arith.constant 2 : i32
          %mul3A_294 = vector.broadcast %mul3A_293 : i32 to vector<16xi32>
          %mul3A_295 = arith.muli %mul3A_294, %select_n3A_227 : vector<16xi32>
          %add3A_296 = arith.addi %add3A_232, %mul3A_295 : vector<16xi32>
          %mul3A_297 = arith.constant 16 : i32
          %mul3A_298 = arith.muli %scan3A_140, %mul3A_297 : i32
          %add3A_299 = arith.constant 5120 : i32
          %add3A_300 = arith.addi %add3A_299, %mul3A_298 : i32
          %swap3A_301 = arith.index_cast %add3A_300 : i32 to index
          %swap3A_302 = tpu.vector_load %arg12[%swap3A_301] {strides = array<i32>} : memref<6144xi32, #tpu.memory_space<vmem>>, vector<16xi32>,
          %swap3A_303 = vector.shape_cast %swap3A_302 : vector<16xi32> to vector<16xi32>
          %swap3A_304 = vector.shape_cast %add3A_296 : vector<16xi32> to vector<16xi32>
          tpu.vector_store %arg12[%swap3A_301], %swap3A_304 {strides = array<i32>} : memref<6144xi32, #tpu.memory_space<vmem>>, vector<16xi32>,
          %scan3A_305 = arith.constant 0 : i32
          scf.yield %scan3A_305 : i32
        }
        %scan3A_132 = arith.constant 64 : i32
        %scan3A_133 = arith.constant 0 : i32
        %scan3A_134 = arith.constant 0 : i32
        %scan3A_135 = arith.constant 48 : i32
        %scan3A_136 = arith.addi %scan3A_134, %scan3A_135 : i32
        %scan3A_137 = arith.constant 1 : i32
        %scan3A_138 = scf.for %scan3A_140 = %scan3A_134 to %scan3A_136 step %scan3A_137 iter_args(%scan3A_141 = %scan3A_133) -> (i32)  : i32 {
          %mul3A_142 = arith.constant 128 : i32
          %mul3A_143 = arith.muli %scan3A_140, %mul3A_142 : i32
          %dma_start3A = tpu.memref_slice %arg13[%mul3A_143] : memref<6144xi32, #tpu.memory_space<vmem>> -> memref<128xi32, #tpu.memory_space<vmem>>
          %dma_start3A_144 = tpu.memref_slice %arg12[%mul3A_143] : memref<6144xi32, #tpu.memory_space<vmem>> -> memref<128xi32, #tpu.memory_space<vmem>>
          %dma_start3A_145 = arith.constant 0 : i32
          %dma_start3A_146 = tpu.memref_slice %arg5[%dma_start3A_145] : memref<31457280xi32, #tpu.memory_space<hbm>> -> memref<31457280xi32, #tpu.memory_space<hbm>>
          tpu.enqueue_indirect_dma source(%dma_start3A_146 : memref<31457280xi32, #tpu.memory_space<hbm>>) target(%dma_start3A : memref<128xi32, #tpu.memory_space<vmem>>) offsets(%dma_start3A_144 : memref<128xi32, #tpu.memory_space<vmem>>) semaphore(%arg21 : memref<!tpu.dma_semaphore, #tpu.memory_space<semaphore_mem>>)
          %scan3A_147 = arith.constant 0 : i32
          scf.yield %scan3A_147 : i32
        }
        %scan3A_139 = arith.constant 48 : i32
      } else {
      }
      %add3A_95 = arith.constant 1 : i32
      %add3A_96 = arith.addi %mul3A_51, %add3A_95 : i32
      %dma_wait3A_97 = arith.constant 0 : i32
      %dma_wait3A_98 = tpu.memref_slice %arg5[%dma_wait3A_97] : memref<31457280xi32, #tpu.memory_space<hbm>> -> memref<6144xi32, #tpu.memory_space<hbm>>
      %dma_wait3A_99 = arith.constant 0 : i32
      %dma_wait3A_100 = tpu.memref_slice %arg5[%dma_wait3A_99] : memref<31457280xi32, #tpu.memory_space<hbm>> -> memref<6144xi32, #tpu.memory_space<hbm>>
      tpu.wait_dma2 semaphore(%arg22 : memref<!tpu.dma_semaphore, #tpu.memory_space<semaphore_mem>>) src(%dma_wait3A_100 : memref<6144xi32, #tpu.memory_space<hbm>>) dst(%arg17 : memref<6144xi32, #tpu.memory_space<vmem>>)
      %scan3A_101 = arith.constant 0 : i32
      %scan3A_102 = arith.constant 0 : i32
      %scan3A_103 = arith.constant 64 : i32
      %scan3A_104 = arith.addi %scan3A_102, %scan3A_103 : i32
      %scan3A_105 = arith.constant 1 : i32
      %scan3A_106 = scf.for %scan3A_119 = %scan3A_102 to %scan3A_104 step %scan3A_105 iter_args(%scan3A_120 = %scan3A_101) -> (i32)  : i32 {
        %mul3A_121 = arith.constant 16 : i32
        %mul3A_122 = arith.muli %scan3A_119, %mul3A_121 : i32
        %get3A = arith.index_cast %mul3A_122 : i32 to index
        %get3A_123 = tpu.vector_load %arg14[%get3A] {strides = array<i32>} : memref<1024xf32, #tpu.memory_space<vmem>>, vector<16xf32>,
        %get3A_124 = vector.shape_cast %get3A_123 : vector<16xf32> to vector<16xf32>
        %get3A_125 = arith.index_cast %mul3A_122 : i32 to index
        %get3A_126 = tpu.vector_load %arg15[%get3A_125] {strides = array<i32>} : memref<1024xf32, #tpu.memory_space<vmem>>, vector<16xf32>,
        %get3A_127 = vector.shape_cast %get3A_126 : vector<16xf32> to vector<16xf32>
        %mul3A_128 = arith.constant 16 : i32
        %mul3A_129 = arith.muli %scan3A_119, %mul3A_128 : i32
        %add3A_130 = arith.constant 0 : i32
        %add3A_131 = arith.addi %add3A_130, %mul3A_129 : i32
        %get3A_132 = arith.index_cast %add3A_131 : i32 to index
        %get3A_133 = tpu.vector_load %arg17[%get3A_132] {strides = array<i32>} : memref<6144xi32, #tpu.memory_space<vmem>>, vector<16xi32>,
        %get3A_134 = vector.shape_cast %get3A_133 : vector<16xi32> to vector<16xi32>
        %mul3A_135 = arith.constant 16 : i32
        %mul3A_136 = arith.muli %scan3A_119, %mul3A_135 : i32
        %add3A_137 = arith.constant 3072 : i32
        %add3A_138 = arith.addi %add3A_137, %mul3A_136 : i32
        %get3A_139 = arith.index_cast %add3A_138 : i32 to index
        %get3A_140 = tpu.vector_load %arg17[%get3A_139] {strides = array<i32>} : memref<6144xi32, #tpu.memory_space<vmem>>, vector<16xi32>,
        %get3A_141 = vector.shape_cast %get3A_140 : vector<16xi32> to vector<16xi32>
        %shift_left3A = arith.constant 16 : i32
        %shift_left3A_142 = vector.broadcast %shift_left3A : i32 to vector<16xi32>
        %shift_left3A_143 = arith.shli %get3A_134, %shift_left3A_142 : vector<16xi32>
        %bitcast_convert_type3A = tpu.bitcast %shift_left3A_143 : vector<16xi32> -> vector<16xf32>
        %and3A_144 = arith.constant -65536 : i32
        %and3A_145 = vector.broadcast %and3A_144 : i32 to vector<16xi32>
        %and3A_146 = arith.andi %get3A_134, %and3A_145 : vector<16xi32>
        %bitcast_convert_type3A_147 = tpu.bitcast %and3A_146 : vector<16xi32> -> vector<16xf32>
        %shift_left3A_148 = arith.constant 16 : i32
        %shift_left3A_149 = vector.broadcast %shift_left3A_148 : i32 to vector<16xi32>
        %shift_left3A_150 = arith.shli %get3A_141, %shift_left3A_149 : vector<16xi32>
        %bitcast_convert_type3A_151 = tpu.bitcast %shift_left3A_150 : vector<16xi32> -> vector<16xf32>
        %and3A_152 = arith.constant -65536 : i32
        %and3A_153 = vector.broadcast %and3A_152 : i32 to vector<16xi32>
        %and3A_154 = arith.andi %get3A_141, %and3A_153 : vector<16xi32>
        %bitcast_convert_type3A_155 = tpu.bitcast %and3A_154 : vector<16xi32> -> vector<16xf32>
        %sub3A_156 = arith.subf %bitcast_convert_type3A_147, %bitcast_convert_type3A : vector<16xf32>
        %mul3A_157 = arith.mulf %get3A_124, %sub3A_156 : vector<16xf32>
        %add3A_158 = arith.addf %bitcast_convert_type3A, %mul3A_157 : vector<16xf32>
        %sub3A_159 = arith.subf %bitcast_convert_type3A_155, %bitcast_convert_type3A_151 : vector<16xf32>
        %mul3A_160 = arith.mulf %get3A_124, %sub3A_159 : vector<16xf32>
        %add3A_161 = arith.addf %bitcast_convert_type3A_151, %mul3A_160 : vector<16xf32>
        %sub3A_162 = arith.subf %add3A_161, %add3A_158 : vector<16xf32>
        %mul3A_163 = arith.mulf %get3A_127, %sub3A_162 : vector<16xf32>
        %add3A_164 = arith.addf %add3A_158, %mul3A_163 : vector<16xf32>
        %swap3A = arith.index_cast %mul3A_122 : i32 to index
        %swap3A_165 = tpu.vector_load %arg18[%swap3A] {strides = array<i32>} : memref<1024xf32, #tpu.memory_space<vmem>>, vector<16xf32>,
        %swap3A_166 = vector.shape_cast %swap3A_165 : vector<16xf32> to vector<16xf32>
        %swap3A_167 = vector.shape_cast %add3A_164 : vector<16xf32> to vector<16xf32>
        tpu.vector_store %arg18[%swap3A], %swap3A_167 {strides = array<i32>} : memref<1024xf32, #tpu.memory_space<vmem>>, vector<16xf32>,
        %mul3A_168 = arith.constant 16 : i32
        %mul3A_169 = arith.muli %scan3A_119, %mul3A_168 : i32
        %add3A_170 = arith.constant 1024 : i32
        %add3A_171 = arith.addi %add3A_170, %mul3A_169 : i32
        %get3A_172 = arith.index_cast %add3A_171 : i32 to index
        %get3A_173 = tpu.vector_load %arg17[%get3A_172] {strides = array<i32>} : memref<6144xi32, #tpu.memory_space<vmem>>, vector<16xi32>,
        %get3A_174 = vector.shape_cast %get3A_173 : vector<16xi32> to vector<16xi32>
        %mul3A_175 = arith.constant 16 : i32
        %mul3A_176 = arith.muli %scan3A_119, %mul3A_175 : i32
        %add3A_177 = arith.constant 4096 : i32
        %add3A_178 = arith.addi %add3A_177, %mul3A_176 : i32
        %get3A_179 = arith.index_cast %add3A_178 : i32 to index
        %get3A_180 = tpu.vector_load %arg17[%get3A_179] {strides = array<i32>} : memref<6144xi32, #tpu.memory_space<vmem>>, vector<16xi32>,
        %get3A_181 = vector.shape_cast %get3A_180 : vector<16xi32> to vector<16xi32>
        %shift_left3A_182 = arith.constant 16 : i32
        %shift_left3A_183 = vector.broadcast %shift_left3A_182 : i32 to vector<16xi32>
        %shift_left3A_184 = arith.shli %get3A_174, %shift_left3A_183 : vector<16xi32>
        %bitcast_convert_type3A_185 = tpu.bitcast %shift_left3A_184 : vector<16xi32> -> vector<16xf32>
        %and3A_186 = arith.constant -65536 : i32
        %and3A_187 = vector.broadcast %and3A_186 : i32 to vector<16xi32>
        %and3A_188 = arith.andi %get3A_174, %and3A_187 : vector<16xi32>
        %bitcast_convert_type3A_189 = tpu.bitcast %and3A_188 : vector<16xi32> -> vector<16xf32>
        %shift_left3A_190 = arith.constant 16 : i32
        %shift_left3A_191 = vector.broadcast %shift_left3A_190 : i32 to vector<16xi32>
        %shift_left3A_192 = arith.shli %get3A_181, %shift_left3A_191 : vector<16xi32>
        %bitcast_convert_type3A_193 = tpu.bitcast %shift_left3A_192 : vector<16xi32> -> vector<16xf32>
        %and3A_194 = arith.constant -65536 : i32
        %and3A_195 = vector.broadcast %and3A_194 : i32 to vector<16xi32>
        %and3A_196 = arith.andi %get3A_181, %and3A_195 : vector<16xi32>
        %bitcast_convert_type3A_197 = tpu.bitcast %and3A_196 : vector<16xi32> -> vector<16xf32>
        %sub3A_198 = arith.subf %bitcast_convert_type3A_189, %bitcast_convert_type3A_185 : vector<16xf32>
        %mul3A_199 = arith.mulf %get3A_124, %sub3A_198 : vector<16xf32>
        %add3A_200 = arith.addf %bitcast_convert_type3A_185, %mul3A_199 : vector<16xf32>
        %sub3A_201 = arith.subf %bitcast_convert_type3A_197, %bitcast_convert_type3A_193 : vector<16xf32>
        %mul3A_202 = arith.mulf %get3A_124, %sub3A_201 : vector<16xf32>
        %add3A_203 = arith.addf %bitcast_convert_type3A_193, %mul3A_202 : vector<16xf32>
        %sub3A_204 = arith.subf %add3A_203, %add3A_200 : vector<16xf32>
        %mul3A_205 = arith.mulf %get3A_127, %sub3A_204 : vector<16xf32>
        %add3A_206 = arith.addf %add3A_200, %mul3A_205 : vector<16xf32>
        %swap3A_207 = arith.index_cast %mul3A_122 : i32 to index
        %swap3A_208 = tpu.vector_load %arg19[%swap3A_207] {strides = array<i32>} : memref<1024xf32, #tpu.memory_space<vmem>>, vector<16xf32>,
        %swap3A_209 = vector.shape_cast %swap3A_208 : vector<16xf32> to vector<16xf32>
        %swap3A_210 = vector.shape_cast %add3A_206 : vector<16xf32> to vector<16xf32>
        tpu.vector_store %arg19[%swap3A_207], %swap3A_210 {strides = array<i32>} : memref<1024xf32, #tpu.memory_space<vmem>>, vector<16xf32>,
        %mul3A_211 = arith.constant 16 : i32
        %mul3A_212 = arith.muli %scan3A_119, %mul3A_211 : i32
        %add3A_213 = arith.constant 2048 : i32
        %add3A_214 = arith.addi %add3A_213, %mul3A_212 : i32
        %get3A_215 = arith.index_cast %add3A_214 : i32 to index
        %get3A_216 = tpu.vector_load %arg17[%get3A_215] {strides = array<i32>} : memref<6144xi32, #tpu.memory_space<vmem>>, vector<16xi32>,
        %get3A_217 = vector.shape_cast %get3A_216 : vector<16xi32> to vector<16xi32>
        %mul3A_218 = arith.constant 16 : i32
        %mul3A_219 = arith.muli %scan3A_119, %mul3A_218 : i32
        %add3A_220 = arith.constant 5120 : i32
        %add3A_221 = arith.addi %add3A_220, %mul3A_219 : i32
        %get3A_222 = arith.index_cast %add3A_221 : i32 to index
        %get3A_223 = tpu.vector_load %arg17[%get3A_222] {strides = array<i32>} : memref<6144xi32, #tpu.memory_space<vmem>>, vector<16xi32>,
        %get3A_224 = vector.shape_cast %get3A_223 : vector<16xi32> to vector<16xi32>
        %shift_left3A_225 = arith.constant 16 : i32
        %shift_left3A_226 = vector.broadcast %shift_left3A_225 : i32 to vector<16xi32>
        %shift_left3A_227 = arith.shli %get3A_217, %shift_left3A_226 : vector<16xi32>
        %bitcast_convert_type3A_228 = tpu.bitcast %shift_left3A_227 : vector<16xi32> -> vector<16xf32>
        %and3A_229 = arith.constant -65536 : i32
        %and3A_230 = vector.broadcast %and3A_229 : i32 to vector<16xi32>
        %and3A_231 = arith.andi %get3A_217, %and3A_230 : vector<16xi32>
        %bitcast_convert_type3A_232 = tpu.bitcast %and3A_231 : vector<16xi32> -> vector<16xf32>
        %shift_left3A_233 = arith.constant 16 : i32
        %shift_left3A_234 = vector.broadcast %shift_left3A_233 : i32 to vector<16xi32>
        %shift_left3A_235 = arith.shli %get3A_224, %shift_left3A_234 : vector<16xi32>
        %bitcast_convert_type3A_236 = tpu.bitcast %shift_left3A_235 : vector<16xi32> -> vector<16xf32>
        %and3A_237 = arith.constant -65536 : i32
        %and3A_238 = vector.broadcast %and3A_237 : i32 to vector<16xi32>
        %and3A_239 = arith.andi %get3A_224, %and3A_238 : vector<16xi32>
        %bitcast_convert_type3A_240 = tpu.bitcast %and3A_239 : vector<16xi32> -> vector<16xf32>
        %sub3A_241 = arith.subf %bitcast_convert_type3A_232, %bitcast_convert_type3A_228 : vector<16xf32>
        %mul3A_242 = arith.mulf %get3A_124, %sub3A_241 : vector<16xf32>
        %add3A_243 = arith.addf %bitcast_convert_type3A_228, %mul3A_242 : vector<16xf32>
        %sub3A_244 = arith.subf %bitcast_convert_type3A_240, %bitcast_convert_type3A_236 : vector<16xf32>
        %mul3A_245 = arith.mulf %get3A_124, %sub3A_244 : vector<16xf32>
        %add3A_246 = arith.addf %bitcast_convert_type3A_236, %mul3A_245 : vector<16xf32>
        %sub3A_247 = arith.subf %add3A_246, %add3A_243 : vector<16xf32>
        %mul3A_248 = arith.mulf %get3A_127, %sub3A_247 : vector<16xf32>
        %add3A_249 = arith.addf %add3A_243, %mul3A_248 : vector<16xf32>
        %swap3A_250 = arith.index_cast %mul3A_122 : i32 to index
        %swap3A_251 = tpu.vector_load %arg20[%swap3A_250] {strides = array<i32>} : memref<1024xf32, #tpu.memory_space<vmem>>, vector<16xf32>,
        %swap3A_252 = vector.shape_cast %swap3A_251 : vector<16xf32> to vector<16xf32>
        %swap3A_253 = vector.shape_cast %add3A_249 : vector<16xf32> to vector<16xf32>
        tpu.vector_store %arg20[%swap3A_250], %swap3A_253 {strides = array<i32>} : memref<1024xf32, #tpu.memory_space<vmem>>, vector<16xf32>,
        %scan3A_254 = arith.constant 0 : i32
        scf.yield %scan3A_254 : i32
      }
      %scan3A_107 = arith.constant 64 : i32
      %mul3A_108 = arith.constant 1024 : i32
      %mul3A_109 = arith.muli %add3A_96, %mul3A_108 : i32
      %add3A_110 = arith.addi %sub3A_21, %mul3A_109 : i32
      %add3A_111 = arith.addi %mul3A_23, %add3A_110 : i32
      "tpu.region"() ({
        %run_scoped3A = tpu.sem_alloc : memref<!tpu.dma_semaphore, #tpu.memory_space<semaphore_mem>>
        %dma_start3A = tpu.memref_slice %arg6[%add3A_111] : memref<3145728xf32, #tpu.memory_space<hbm>> -> memref<1024xf32, #tpu.memory_space<hbm>>
        %dma_start3A_119 = tpu.memref_slice %arg6[%add3A_111] : memref<3145728xf32, #tpu.memory_space<hbm>> -> memref<1024xf32, #tpu.memory_space<hbm>>
        tpu.enqueue_dma source(%arg18 : memref<1024xf32, #tpu.memory_space<vmem>>) target(%dma_start3A_119 : memref<1024xf32, #tpu.memory_space<hbm>>) target_semaphore(%run_scoped3A : memref<!tpu.dma_semaphore, #tpu.memory_space<semaphore_mem>>)
        %dma_wait3A_120 = tpu.memref_slice %arg6[%add3A_111] : memref<3145728xf32, #tpu.memory_space<hbm>> -> memref<1024xf32, #tpu.memory_space<hbm>>
        %dma_wait3A_121 = tpu.memref_slice %arg6[%add3A_111] : memref<3145728xf32, #tpu.memory_space<hbm>> -> memref<1024xf32, #tpu.memory_space<hbm>>
        tpu.wait_dma2 semaphore(%run_scoped3A : memref<!tpu.dma_semaphore, #tpu.memory_space<semaphore_mem>>) src(%arg18 : memref<1024xf32, #tpu.memory_space<vmem>>) dst(%dma_wait3A_121 : memref<1024xf32, #tpu.memory_space<hbm>>)
        tpu.yield
      }) : () -> ()
      %add3A_112 = arith.constant 262144 : i32
      %add3A_113 = arith.addi %mul3A_23, %add3A_112 : i32
      %add3A_114 = arith.addi %add3A_113, %add3A_110 : i32
      "tpu.region"() ({
        %run_scoped3A = tpu.sem_alloc : memref<!tpu.dma_semaphore, #tpu.memory_space<semaphore_mem>>
        %dma_start3A = tpu.memref_slice %arg6[%add3A_114] : memref<3145728xf32, #tpu.memory_space<hbm>> -> memref<1024xf32, #tpu.memory_space<hbm>>
        %dma_start3A_119 = tpu.memref_slice %arg6[%add3A_114] : memref<3145728xf32, #tpu.memory_space<hbm>> -> memref<1024xf32, #tpu.memory_space<hbm>>
        tpu.enqueue_dma source(%arg19 : memref<1024xf32, #tpu.memory_space<vmem>>) target(%dma_start3A_119 : memref<1024xf32, #tpu.memory_space<hbm>>) target_semaphore(%run_scoped3A : memref<!tpu.dma_semaphore, #tpu.memory_space<semaphore_mem>>)
        %dma_wait3A_120 = tpu.memref_slice %arg6[%add3A_114] : memref<3145728xf32, #tpu.memory_space<hbm>> -> memref<1024xf32, #tpu.memory_space<hbm>>
        %dma_wait3A_121 = tpu.memref_slice %arg6[%add3A_114] : memref<3145728xf32, #tpu.memory_space<hbm>> -> memref<1024xf32, #tpu.memory_space<hbm>>
        tpu.wait_dma2 semaphore(%run_scoped3A : memref<!tpu.dma_semaphore, #tpu.memory_space<semaphore_mem>>) src(%arg19 : memref<1024xf32, #tpu.memory_space<vmem>>) dst(%dma_wait3A_121 : memref<1024xf32, #tpu.memory_space<hbm>>)
        tpu.yield
      }) : () -> ()
      %add3A_115 = arith.constant 524288 : i32
      %add3A_116 = arith.addi %mul3A_23, %add3A_115 : i32
      %add3A_117 = arith.addi %add3A_116, %add3A_110 : i32
      "tpu.region"() ({
        %run_scoped3A = tpu.sem_alloc : memref<!tpu.dma_semaphore, #tpu.memory_space<semaphore_mem>>
        %dma_start3A = tpu.memref_slice %arg6[%add3A_117] : memref<3145728xf32, #tpu.memory_space<hbm>> -> memref<1024xf32, #tpu.memory_space<hbm>>
        %dma_start3A_119 = tpu.memref_slice %arg6[%add3A_117] : memref<3145728xf32, #tpu.memory_space<hbm>> -> memref<1024xf32, #tpu.memory_space<hbm>>
        tpu.enqueue_dma source(%arg20 : memref<1024xf32, #tpu.memory_space<vmem>>) target(%dma_start3A_119 : memref<1024xf32, #tpu.memory_space<hbm>>) target_semaphore(%run_scoped3A : memref<!tpu.dma_semaphore, #tpu.memory_space<semaphore_mem>>)
        %dma_wait3A_120 = tpu.memref_slice %arg6[%add3A_117] : memref<3145728xf32, #tpu.memory_space<hbm>> -> memref<1024xf32, #tpu.memory_space<hbm>>
        %dma_wait3A_121 = tpu.memref_slice %arg6[%add3A_117] : memref<3145728xf32, #tpu.memory_space<hbm>> -> memref<1024xf32, #tpu.memory_space<hbm>>
        tpu.wait_dma2 semaphore(%run_scoped3A : memref<!tpu.dma_semaphore, #tpu.memory_space<semaphore_mem>>) src(%arg20 : memref<1024xf32, #tpu.memory_space<vmem>>) dst(%dma_wait3A_121 : memref<1024xf32, #tpu.memory_space<hbm>>)
        tpu.yield
      }) : () -> ()
      %scan3A_118 = arith.constant 0 : i32
      scf.yield %scan3A_118 : i32
    }
    %scan3A_47 = arith.constant 16 : i32
    return
  }
}

</mosaic_0001>

<sc_bundles>
// kernel: kernel.3.cloned.1.call-start
scs
__scs_entry_jumppad:
0x0: {  	(pc) =	sbr.rel $0x88, $3  }
0x1: {  	(tag) =	ssettag $0x0;
	lr =	simm.s32 $0x1  }
0x2: {  	[smem:$0x3F9B] =	sst lr;
	_ =	strace $0xD0000000  }
0x3: {  	_ = 	snop  }
0x4: {  	_ = 	snop  }
0x5: {  	_ = 	snop  }
0x6: {  	_ = 	snop  }
0x7: {  	_ = 	snop  }
__scs_overlays_trampoline_lowered:
0x8: {  	[smem:$0x3FAA] =	sst s0  }
0x9: {  	[smem:$0x3FAB] =	sst s1  }
0xa: {  	[smem:$0x3FAC] =	sst s2  }
0xb: {  	[smem:$0x3FAD] =	sst s3  }
0xc: {  	[smem:$0x3FAE] =	sst s4  }
0xd: {  	[smem:$0x3FAF] =	sst s5  }
0xe: {  	[smem:$0x3FB0] =	sst s6  }
0xf: {  	[smem:$0x3FB1] =	sst s7  }
0x10: {  	[smem:$0x3FB2] =	sst s8  }
0x11: {  	[smem:$0x3FB3] =	sst s9;
	s0 =	simm.s32 @!p0 $0x0  }
0x12: {  	s1 =	sld [smem:$0x3F99];
	s0 =	simm.s32 @p0 $0x1  }
0x13: {  	[smem:$0x3FB4] =	sst s0;
	s0 =	simm.s32 @!p1 $0x0  }
0x14: {  	s2 =	sld [smem:$0x3F98];
	s0 =	simm.s32 @p1 $0x1  }
0x15: {  	[smem:$0x3FB5] =	sst s0;
	s0 =	simm.s32 @!p2 $0x0  }
0x16: {  	s3 =	sld [smem:$0x3FDB];
	s0 =	simm.s32 @p2 $0x1  }
0x17: {  	s4 =	simm.s32 $0x1BF5;
	[smem:$0x3FB7] =	sst s0  }
0x18: {  	s0 =	sld [smem:$0x3F9A];
	_ =	swait.ge [sflag:s4], $0x0  }
0x19: {  	s7 =	sld [smem:$0x3F9B]  }
0x1a: {  	s8 =	sadd.s32 $0xFFFFE003, lr  }
0x1b: {  	s9 =	sadd.s32 $0xFFFFFEF7, lr;
	s5 =	simm.s32 $0xFFFFFFFF;
	p2 =	slt.u32 s8, $0xFFFFF086  }
0x1c: {  	p1 =	slt.u32 s9, $0xF7A;
	s5 =	simm.s32 @!p2 $0x0  }
0x1d: {  	s5 =	simm.s32 @p1 $0x1;
	p0 =	seq.s32 s7, s2  }
0x1e: {  	s7 =	smul.u32 @!p0 $0xF7A, s2;
	p2 =	seq.s32 @!p0 s5, $0x0  }
0x1f: {  	s9 =	smul.u32 $0xF7A, s1;
	s8 =	simm.s32 @!p0 $0x1BF5;
	p2 =	por !p2, p0  }
0x20: {  	[sflag:s8] =	ssyncset.s32 @!p0 $0xFFFFF086;
	s6 =	sadd.s32 @!p0 s3, s7;
	s7 =	simm.s32 @!p0 $0x108  }
0x21: {  	s3 =	sadd.s32 s3, s9;
	s6 =	sadd.s32 @!p0 $0x88, s6;
	s7 =	simm.s32 @p2 $0x1082  }
0x22: {  	[simem:s7], [sflag:s8] =	dma.local @!p0 [hbm:s6], $0xF7A  }
0x23: {  	s9 =	sor.u32 $0xD0000000, s2;
	s6 =	simm.s32 $0x108;
	_ =	swait.ge @!p0 [sflag:s8], $0x0  }
0x24: {  	s3 =	sadd.s32 $0x88, s3;
	s6 =	simm.s32 @!p1 $0x1082;
	[sflag:s4] =	ssyncset.s32 $0xFFFFF086  }
0x25: {  	[simem:s6], [sflag:s4] =	dma.local [hbm:s3], $0xF7A  }
0x26: {  	[smem:$0x3F9B] =	sst s1;
	(tag) =	ssettag s2;
	_ =	strace s9  }
0x27: {  	s1 =	sld [smem:$0x3FAB]  }
0x28: {  	s2 =	sld [smem:$0x3FAC]  }
0x29: {  	s4 =	sld [smem:$0x3FAE]  }
0x2a: {  	p0 =	seq.s32 s5, $0x0;
	s5 =	sld [smem:$0x3FAF]  }
0x2b: {  	s6 =	sld [smem:$0x3FB0]  }
0x2c: {  	s7 =	sld [smem:$0x3FB1]  }
0x2d: {  	s3 =	simm.s32 $0x108;
	s8 =	sld [smem:$0x3FB2]  }
0x2e: {  	s3 =	simm.s32 @!p0 $0x1082;
	s9 =	sld [smem:$0x3FB3]  }
0x2f: {  	lr =	sadd.s32 s0, s3;
	s0 =	sld [smem:$0x3FAA]  }
0x30: {  	s3 =	sld [smem:$0x3FAD]  }
0x31: {  	[smem:$0x3FB6] =	sst s10  }
0x32: {  	s10 =	sld [smem:$0x3FB4];
	_ =	sdelay $0x3  }
0x33: {  	p0 =	seq.s32 s10, $0x1;
	s10 =	sld [smem:$0x3FB6];
	_ =	sdelay $0x3  }
0x34: {  	[smem:$0x3FB6] =	sst s10  }
0x35: {  	s10 =	sld [smem:$0x3FB5];
	_ =	sdelay $0x3  }
0x36: {  	p1 =	seq.s32 s10, $0x1;
	s10 =	sld [smem:$0x3FB6];
	_ =	sdelay $0x3  }
0x37: {  	[smem:$0x3FB6] =	sst s10  }
0x38: {  	s10 =	sld [smem:$0x3FB7]  }
0x39: {  	_ = 	snop;
	(pc) =	sbr.ind lr, $3  }
0x3a: {  	_ = 	snop  }
0x3b: {  	_ = 	snop  }
0x3c: {  	p2 =	seq.s32 s10, $0x1;
	s10 =	sld [smem:$0x3FB6]  }
0x3d: {  	_ =	shalt  }
0x3e: {  	_ =	shalt  }
0x3f: {  	_ =	shalt  }
0x40: {  	_ =	shalt  }
0x41: {  	_ =	shalt  }
0x42: {  	_ =	shalt  }
0x43: {  	_ =	shalt  }
0x44: {  	_ =	shalt  }
0x45: {  	_ =	shalt  }
0x46: {  	_ =	shalt  }
0x47: {  	_ =	shalt  }
0x48: {  	_ =	shalt  }
0x49: {  	_ =	shalt  }
0x4a: {  	_ =	shalt  }
0x4b: {  	_ =	shalt  }
0x4c: {  	_ =	shalt  }
0x4d: {  	_ =	shalt  }
0x4e: {  	_ =	shalt  }
0x4f: {  	_ =	shalt  }
0x50: {  	_ =	shalt  }
0x51: {  	_ =	shalt  }
0x52: {  	_ =	shalt  }
0x53: {  	_ =	shalt  }
0x54: {  	_ =	shalt  }
0x55: {  	_ =	shalt  }
0x56: {  	_ =	shalt  }
0x57: {  	_ =	shalt  }
0x58: {  	_ =	shalt  }
0x59: {  	_ =	shalt  }
0x5a: {  	_ =	shalt  }
0x5b: {  	_ =	shalt  }
0x5c: {  	_ =	shalt  }
0x5d: {  	_ =	shalt  }
0x5e: {  	_ =	shalt  }
0x5f: {  	_ =	shalt  }
0x60: {  	_ =	shalt  }
0x61: {  	_ =	shalt  }
0x62: {  	_ =	shalt  }
0x63: {  	_ =	shalt  }
0x64: {  	_ =	shalt  }
0x65: {  	_ =	shalt  }
0x66: {  	_ =	shalt  }
0x67: {  	_ =	shalt  }
0x68: {  	_ =	shalt  }
0x69: {  	_ =	shalt  }
0x6a: {  	_ =	shalt  }
0x6b: {  	_ =	shalt  }
0x6c: {  	_ =	shalt  }
0x6d: {  	_ =	shalt  }
0x6e: {  	_ =	shalt  }
0x6f: {  	_ =	shalt  }
0x70: {  	_ =	shalt  }
0x71: {  	_ =	shalt  }
0x72: {  	_ =	shalt  }
0x73: {  	_ =	shalt  }
0x74: {  	_ =	shalt  }
0x75: {  	_ =	shalt  }
0x76: {  	_ =	shalt  }
0x77: {  	_ =	shalt  }
0x78: {  	_ =	shalt  }
0x79: {  	_ =	shalt  }
0x7a: {  	_ =	shalt  }
0x7b: {  	_ =	shalt  }
0x7c: {  	_ =	shalt  }
0x7d: {  	_ =	shalt  }
0x7e: {  	_ =	shalt  }
0x7f: {  	_ =	shalt  }
0x80: {  	_ =	shalt  }
0x81: {  	_ =	shalt  }
0x82: {  	_ =	shalt  }
0x83: {  	_ =	shalt  }
0x84: {  	_ =	shalt  }
0x85: {  	_ =	shalt  }
0x86: {  	_ =	shalt  }
0x87: {  	_ =	shalt  }
.Lfunc_end0:
.L_simem_size_0:
called_computation_lowered:
.L_overlay_start_0:
0x88: {  	s2 =	sld [smem:$0x3FD9]  }
0x89: {  	s3 =	sld [smem:$0x3FFE];
	_ =	sdelay $0x1  }
0x8a: {  	s1 =	srdreg.scid  }
0x8b: {  	s0 =	sand.u32 $0x1, s1  }
0x8c: {  	s17 =	sshll.u32 s0, $0xA;
	s2 =	sadd.s32 s3, s2  }
0x8d: {  	s2 =	sadd.s32 s2, s17  }
0x8e: {  	[smem:$0x3FC2] =	sst s2  }
0x8f: {  	_ = 	snop  }
0x90: {  	s2 =	sld [smem:$0x3FD0];
	(tm) =	ssettm $0x1  }
0x91: {  	s18 =	sld [smem:$0x3FFB];
	_ =	sdelay $0x3  }
0x92: {  	_ =	strace s18  }
0x93: {  	s3 =	sld [smem:$0x3FFC];
	_ =	sdelay $0x3  }
0x94: {  	_ =	strace s3  }
0x95: {  	s3 =	sld [smem:$0x3FFD];
	_ =	sdelay $0x3  }
0x96: {  	_ =	strace s3  }
0x97: {  	_ =	strace $0x8FFFFFFF  }
0x98: {  	s19 =	sld [smem:$0x3FDB];
	_ =	sdelay $0x1  }
0x99: {  	s4 =	simm.s32 $_scs_section_size  }
0x9a: {  	s5 =	simm.s32 $_size__tile_overlayer_lowered;
	s6 =	simm.s32 $_tile_overlayer_lowered  }
0x9b: {  	s22 =	simm.s32 $0x1BFF;
	s21 =	sshll.u32 s6, $0x1;
	s3 =	sadd.s32 s4, s19  }
0x9c: {  	s7 =	simm.s32 $0x0;
	s20 =	sshll.u32 s5, $0x1;
	s5 =	sadd.s32 s21, s3  }
0x9d: {  	[timem:s7], [sflag:s22] =	dma.local [hbm:s5], s20  }
0x9e: {  	_ =	swait.ge [sflag:s22], s20  }
0x9f: {  	s4 =	ssub.s32 $0x0, s20;
	[sflag:s22] =	ssyncset.done $0x0  }
0xa0: {  	[sflag:s22] =	ssyncadd.s32 s4;
	_ =	sdelay $0x1  }
0xa1: {  	s23 =	simm.s32 $0x1B8B  }
0xa2: {  	_ =	swait.ge [sflag:s23], $0x1  }
0xa3: {  	[sflag:s23] =	ssyncset.done $0x0  }
0xa4: {  	s25 =	simm.s32 $0x1B8E;
	s24 =	sld [smem:$0x3FFE];
	[sflag:s23] =	ssyncadd.s32 $0xFFFFFFFF  }
0xa5: {  	s26 =	simm.s32 $execute0_lowered;
	[smem:$0x3FD2] =	sst s25  }
0xa6: {  	s5 =	sshll.u32 s26, $0x1;
	_ =	strace $0x80000046;
	[dreg:$0x1] =	wrdreg $0xFFFFFFFF  }
0xa7: {  	s28 =	simm.s32 $_size_execute0_lowered;
	s3 =	sadd.s32 s3, s5;
	[dreg:$0x0] =	wrdreg $0x0  }
0xa8: {  	s5 =	sshll.u32 s28, $0x1;
	[dreg:$0x2] =	wrdreg s3  }
0xa9: {  	[dreg:$0x3] =	wrdreg s5  }
0xaa: {  	[dreg:$0x4] =	wrdreg $0xC0  }
0xab: {  	_ =	task [dreg:s7], $0x5FFFF  }
0xac: {  	[dreg:$0x1] =	wrdreg $0xFFFFFFFF  }
0xad: {  	[dreg:$0x0] =	wrdreg $0x60  }
0xae: {  	[dreg:$0x2] =	wrdreg s24  }
0xaf: {  	[dreg:$0x3] =	wrdreg s2  }
0xb0: {  	[dreg:$0x4] =	wrdreg $0x9  }
0xb1: {  	_ =	task.clear_ibuf [dreg:s7], $0x5FFFF;
	_ =	strace $0x90000046  }
0xb2: {  	s29 =	simm.s32 $0x9;
	_ =	strace $0x80000048  }
0xb3: {  	_ =	swait.ge [sflag:s29], $0x1  }
0xb4: {  	[sflag:s29] =	ssyncadd.s32 $0xFFFFFFFF  }
0xb5: {  	_ =	strace $0x90000048  }
0xb6: {  	_ =	sfence  }
0xb7: {  	s30 =	sld [smem:$0x0];
	_ =	sdelay $0x2  }
0xb8: {  	s31 =	sshll.u32 s1, $0xD;
	s1 =	sshrl.u32 s1, $0x2  }
0xb9: {  	s3 =	sand.u32 $0x4000, s31;
	s1 =	sadd.s32 s1, s30  }
0xba: {  	s0 =	sor.u32 s3, s0;
	s1 =	sshll.u32 s1, $0x11  }
0xbb: {  	s0 =	sor.u32 s1, s0  }
0xbc: {  	s0 =	sadd.s32 $0x8F2B, s0  }
0xbd: {  	[sflag:s0] =	ssyncadd.remote.s32 $0x1  }
0xbe: {  	_ =	sfence.sel $0xFFFF  }
0xbf: {  	[dreg:$0x0] =	wrdreg $0xFFFFFFFF;
	(pc) =	sbr.abs _section_cstart, $3  }
0xc0: {  	[dreg:$0x1] =	wrdreg $0xFFFFFFFF  }
0xc1: {  	_ =	task.clear_ibuf [dreg:s7], $0x2FFFF;
	_ =	strace $0x9FFFFFFF  }
0xc2: {  	(tm) =	ssettm $0x7FFFFFFF  }
0xc3: {  	_ =	shalt  }
tec
execute0_lowered:
.L_overlay_start_1:
0x0: {  	(tag) =	ssettag $0x1  }
0x1: {  	s0 =	rddreg [dreg:$0x0]  }
0x2: {  	s1 =	rddreg [dreg:$0x1];
	s2 =	simm.s32 $0x0;
	s3 =	srdreg.scid  }
0x3: {  	s10 =	stileid.u32;
	s18 =	simm.s32 $0x3;
	s19 =	simm.s32 $0x80  }
0x4: {  	s20 =	simm.s32 $0x1;
	s21 =	simm.s32 $0x7C00;
	s22 =	simm.s32 $0x8000  }
0x5: {  	s23 =	simm.s32 $0x8400;
	s24 =	simm.s32 $0x2;
	[smem:$0x7FF] =	sst s2  }
0x6: {  	s4 =	sadd.s32 $0x1200, s0;
	s5 =	sadd.s32 $0x21200, s0;
	s6 =	sadd.s32 $0x481400, s0  }
0x7: {  	s3 =	sand.u32 $0x1, s3;
	s7 =	sadd.s32 $0x41200, s0;
	s8 =	sshll.u32 s10, $0x1  }
0x8: {  	s10 =	sshrl.u32 s10, $0x2;
	s28 =	ssub.s32 $0x2, s3;
	s3 =	sor.u32 s3, s8  }
0x9: {  	_ =	strace $0x80000047;
	s8 =	sshll.u32 s3, $0xF;
	s3 =	sshll.u32 s3, $0xC  }
0xa: {  	s29 =	sshll.u32 s10, $0x12;
	s10 =	smul.u32 $0xC0000, s10;
	s11 =	sadd.s32 s4, s3  }
0xb: {  	s9 =	sshrl.u32 s28, $0x1;
	s30 =	sadd.s32 s1, s3;
	[dreg:$0x3] =	wrdreg s11  }
0xc: {  	s0 =	ssub.s32 s28, s9;
	s3 =	sadd.s32 s5, s3;
	[dreg:$0x4] =	wrdreg s30  }
0xd: {  	s9 =	ssub.s32 s8, s29;
	s31 =	sor.u32 $0x800, s8;
	[dreg:$0x5] =	wrdreg s3  }
0xe: {  	v0 =	vimm.s32 $0x0;
	s14 =	sadd.s32 $0x40000, s10;
	[dreg:$0x6] =	wrdreg s31;
	s0 =	smax.u32 s0, $0x1  }
0xf: {  	v1 =	vimm.f32 $1.023000000e+03;
	v2 =	vimm.s32 $0x3FF;
	v3 =	vimm.s32 $0x100000;
	s15 =	sadd.s32 $0x80000, s10;
	s3 =	simm.s32 $0x0;
	[dreg:$0x7] =	wrdreg s0  }
.LBB2_1:
0x10: {  	[dreg:$0x8] =	wrdreg s3  }
0x11: {  	s0 =	rddreg [dreg:$0x3]  }
0x12: {  	[tilespmem:s2], [sflag:$0x3] =	stream.linear.gather [hbm4b:s0+s2], $0x400, $0x38;
	[tilespmem:$0x8800] =	vst v63  }
0x13: {  	_ =	swait.ge [sflag:s18], $0x400  }
0x14: {  	[sflag:s18] =	ssyncset.done $0x0  }
0x15: {  	s0 =	simm.s32 $0x400;
	s26 =	rddreg [dreg:$0x4];
	[sflag:s18] =	ssyncadd.s32 $0xFFFFFC00  }
0x16: {  	[tilespmem:s0], [sflag:$0x3] =	stream.linear.gather [hbm4b:s26+s2], $0x400, $0x38;
	[tilespmem:$0x8800] =	vst v63  }
0x17: {  	_ =	swait.ge [sflag:s18], $0x400  }
0x18: {  	[sflag:s18] =	ssyncset.done $0x0  }
0x19: {  	s28 =	simm.s32 $0x800;
	s29 =	rddreg [dreg:$0x5];
	[sflag:s18] =	ssyncadd.s32 $0xFFFFFC00  }
0x1a: {  	[tilespmem:s28], [sflag:$0x3] =	stream.linear.gather [hbm4b:s29+s2], $0x400, $0x38;
	[tilespmem:$0x8800] =	vst v63  }
0x1b: {  	_ =	swait.ge [sflag:s18], $0x400  }
0x1c: {  	[sflag:s18] =	ssyncset.done $0x0  }
0x1d: {  	[sflag:s18] =	ssyncadd.s32 $0xFFFFFC00  }
0x1e: {  	v4 =	vld [tilespmem:s28+$0x0]  }
0x1f: {  	v5 =	vld [tilespmem:s2+$0x0]  }
0x20: {  	v6 =	vld [tilespmem:s0+$0x0];
	_ =	sdelay $0x3  }
0x21: {  	v5 =	vadd.f32 $1.000000000e+00, v5  }
0x22: {  	v7 =	vshra.s32 v4, $0x1;
	v6 =	vadd.f32 $1.000000000e+00, v6  }
0x23: {  	vm0 =	veq.s32 v7, $0x0;
	v5 =	vmul.f32 $5.000000000e-01, v5  }
0x24: {  	v8 =	vsel vm0, $0x44FFE000, v1;
	v6 =	vmul.f32 $5.000000000e-01, v6  }
0x25: {  	v5 =	vmul.f32 v8, v5  }
0x26: {  	v6 =	vmul.f32 v8, v6  }
0x27: {  	v5 =	vmax.f32 v5, $0.0e+00  }
0x28: {  	v6 =	vmax.f32 v6, $0.0e+00;
	v5 =	vmin.f32 v8, v5  }
0x29: {  	v9 =	vmul.u32 $0xC00000, v4;
	v6 =	vmin.f32 v8, v6;
	v8 =	vtrunc.f32 v5  }
0x2a: {  	vm1 =	veq.s32 v4, $0x3;
	v4 =	vtrunc.f32 v6;
	v8 =	vcvt.f32.s32 v8  }
0x2b: {  	v10 =	vsel vm1, $0xFF700000, v0;
	v4 =	vcvt.f32.s32 v4  }
0x2c: {  	v9 =	vadd.s32 v9, v10;
	v10 =	vcvt.s32.f32 v8  }
0x2d: {  	v11 =	vsel vm0, $0x7FF, v2;
	v12 =	vcvt.s32.f32 v4;
	v13 =	vadd.s32 $0x1, v4  }
0x2e: {  	v7 =	vsub.s32 $0xB, v7;
	vm15 =	vlt.s32 v13, v11;
	v5 =	vsub.f32 v5, v10  }
0x2f: {  	s31 =	simm.s32 $0xC00;
	v10 =	vshll.u32 v4, v7;
	v6 =	vsub.f32 v6, v12;
	v11 =	vsel vm15, v13, v11  }
0x30: {  	s11 =	simm.s32 $0x1000;
	s12 =	simm.s32 $0x1400;
	v4 =	vsel vm0, $0x400000, v3;
	v7 =	vshll.u32 v11, v7;
	[tilespmem:s31+$0x0] =	vst v5;
	v5 =	vadd.s32 v8, v9  }
0x31: {  	s3 =	simm.s32 $0x10;
	s30 =	sand.u32 $0x3F0, s2;
	s13 =	simm.s32 $0x1010;
	v8 =	vshll.u32 v4, $0x1;
	[tilespmem:s11+$0x0] =	vst v6;
	v6 =	vadd.s32 v10, v5;
	v5 =	vadd.s32 v7, v5  }
0x32: {  	s17 =	simm.s32 $0x0;
	s11 =	simm.s32 $0x1410;
	[tilespmem:s12+$0x0] =	vst v6;
	v7 =	vadd.s32 v8, v6;
	v8 =	vadd.s32 v8, v5;
	s12 =	simm.s32 $0xC10  }
.LBB2_2:
0x33: {  	[tilespmem:s30+$0x2800] =	vst v8;
	s17 =	sadd.s32 $0x10, s17;
	s0 =	sadd.s32 $0x10, s0;
	s28 =	sadd.s32 $0x10, s28  }
0x34: {  	p0 =	sne.s32 s3, $0x3F0;
	v6 =	vadd.s32 v4, v6;
	v4 =	vadd.s32 v4, v5;
	s29 =	smov.u32 s3;
	s3 =	sadd.s32 $0x10, s3;
	[tilespmem:s30+$0x1C00] =	vst v7  }
0x35: {  	s25 =	smov.u32 s11;
	[tilespmem:s30+$0x2400] =	vst v4  }
0x36: {  	[tilespmem:s30+$0x2000] =	vst v5  }
0x37: {  	[tilespmem:s30+$0x1800] =	vst v6  }
0x38: {  	v4 =	vld [tilespmem:s28+$0x0]  }
0x39: {  	v5 =	vld [tilespmem:s17+$0x0]  }
0x3a: {  	v6 =	vld [tilespmem:s0+$0x0];
	_ =	sdelay $0x2  }
0x3b: {  	v7 =	vshra.s32 v4, $0x1;
	v8 =	vmul.u32 $0xC00000, v4;
	vm1 =	veq.s32 v4, $0x3  }
0x3c: {  	vm0 =	veq.s32 v7, $0x0;
	v4 =	vadd.f32 $1.000000000e+00, v5;
	v5 =	vsel vm1, $0xFF700000, v0  }
0x3d: {  	v6 =	vadd.f32 $1.000000000e+00, v6;
	v5 =	vadd.s32 v8, v5  }
0x3e: {  	v4 =	vmul.f32 $5.000000000e-01, v4  }
0x3f: {  	v8 =	vsel vm0, $0x44FFE000, v1;
	v6 =	vmul.f32 $5.000000000e-01, v6  }
0x40: {  	v4 =	vmul.f32 v8, v4  }
0x41: {  	v6 =	vmul.f32 v8, v6  }
0x42: {  	v4 =	vmax.f32 v4, $0.0e+00  }
0x43: {  	v4 =	vmin.f32 v8, v4;
	v6 =	vmax.f32 v6, $0.0e+00  }
0x44: {  	v6 =	vmin.f32 v8, v6;
	v8 =	vtrunc.f32 v4  }
0x45: {  	v8 =	vcvt.f32.s32 v8;
	v9 =	vtrunc.f32 v6  }
0x46: {  	v9 =	vcvt.f32.s32 v9  }
0x47: {  	v7 =	vsub.s32 $0xB, v7;
	v11 =	vsel vm0, $0x7FF, v2;
	v10 =	vcvt.s32.f32 v8  }
0x48: {  	v12 =	vcvt.s32.f32 v9;
	v13 =	vadd.s32 $0x1, v9;
	v9 =	vshll.u32 v9, v7  }
.Ltmp0:
0x49: {  	v4 =	vsub.f32 v4, v10;
	vm1 =	vlt.s32 v13, v11;
	(pc) =	sbr.rel @p0 .LBB2_2-.Ltmp0, $4  }
0x4a: {  	v6 =	vsub.f32 v6, v12;
	v10 =	vsel vm1, v13, v11  }
0x4b: {  	v5 =	vadd.s32 v8, v5;
	[tilespmem:s12+$0x0] =	vst v4;
	v4 =	vsel vm0, $0x400000, v3;
	v7 =	vshll.u32 v10, v7  }
0x4c: {  	s11 =	sadd.s32 $0x10, s11;
	s26 =	simm.s32 $0x0;
	[tilespmem:s13+$0x0] =	vst v6;
	v6 =	vadd.s32 v9, v5;
	v5 =	vadd.s32 v7, v5;
	v8 =	vshll.u32 v4, $0x1  }
0x4d: {  	s30 =	sand.u32 $0x3F0, s29;
	s12 =	sadd.s32 $0x10, s12;
	s13 =	sadd.s32 $0x10, s13;
	[tilespmem:s25+$0x0] =	vst v6;
	v7 =	vadd.s32 v8, v6;
	v8 =	vadd.s32 v8, v5  }
0x4e: {  	[tilespmem:s30+$0x2800] =	vst v8  }
0x4f: {  	[tilespmem:s30+$0x1C00] =	vst v7  }
0x50: {  	v63 =	vadd.s32 v4, v5;
	[tilespmem:s30+$0x2000] =	vst v5  }
0x51: {  	v4 =	vadd.s32 v4, v6;
	[tilespmem:s30+$0x2400] =	vst v63  }
0x52: {  	s0 =	simm.s32 $0x200;
	s3 =	simm.s32 $0x2C00;
	s11 =	simm.s32 $0x1400;
	[tilespmem:s30+$0x1800] =	vst v4  }
.LBB2_4:
0x53: {  	[tilespmem:s3], [sflag:$0x1] =	stream.indirect.gather [hbm4b:s6+s19], $0x1, s11, s19, $0xb8;
	[tilespmem:$0x8800] =	vst v63  }
0x54: {  	s3 =	smov.u32 s0;
	p0 =	sne.s32 s0, $0x5E00  }
.Ltmp1:
0x55: {  	s0 =	sadd.s32 $0x200, s0;
	(pc) =	sbr.rel @p0 .LBB2_4-.Ltmp1, $3  }
0x56: {  	_ =	sdelay $0x1  }
0x57: {  	s11 =	sshra.s32 s3, $0x2  }
0x58: {  	s3 =	sadd.s32 $0x2C00, s11;
	s11 =	sadd.s32 $0x1400, s11  }
0x59: {  	[tilespmem:s3], [sflag:$0x1] =	stream.indirect.gather [hbm4b:s6+s19], $0x1, s11, s19, $0xb8;
	[tilespmem:$0x8800] =	vst v63  }
.LBB2_6:
0x5a: {  	s29 =	sshll.u32 s26, $0xB  }
0x5b: {  	s28 =	sor.u32 $0x400, s29  }
0x5c: {  	s0 =	sor.u32 s8, s28  }
0x5d: {  	s3 =	sshrl.u32 s0, $0x3  }
0x5e: {  	s0 =	simm.s32 $0x0;
	s11 =	sadd.s32 s4, s3  }
0x5f: {  	[tilespmem:s0], [sflag:$0x3] =	stream.linear.gather [hbm4b:s11+s0], $0x400, $0x38;
	[tilespmem:$0x8800] =	vst v63  }
0x60: {  	_ =	swait.ge [sflag:s18], $0x400  }
0x61: {  	[sflag:s18] =	ssyncset.done $0x0  }
0x62: {  	s30 =	simm.s32 $0x400;
	s16 =	sadd.s32 s1, s3;
	[sflag:s18] =	ssyncadd.s32 $0xFFFFFC00  }
0x63: {  	[tilespmem:s30], [sflag:$0x3] =	stream.linear.gather [hbm4b:s16+s0], $0x400, $0x38;
	[tilespmem:$0x8800] =	vst v63  }
0x64: {  	_ =	swait.ge [sflag:s18], $0x400  }
0x65: {  	[sflag:s18] =	ssyncset.done $0x0  }
0x66: {  	s31 =	simm.s32 $0x800;
	s3 =	sadd.s32 s5, s3;
	[sflag:s18] =	ssyncadd.s32 $0xFFFFFC00  }
0x67: {  	[tilespmem:s31], [sflag:$0x3] =	stream.linear.gather [hbm4b:s3+s0], $0x400, $0x38;
	[tilespmem:$0x8800] =	vst v63  }
0x68: {  	_ =	swait.ge [sflag:s18], $0x400  }
0x69: {  	[sflag:s18] =	ssyncset.done $0x0  }
0x6a: {  	[sflag:s18] =	ssyncadd.s32 $0xFFFFFC00  }
0x6b: {  	v4 =	vld [tilespmem:s31+$0x0]  }
0x6c: {  	v5 =	vld [tilespmem:s0+$0x0]  }
0x6d: {  	v6 =	vld [tilespmem:s30+$0x0];
	_ =	sdelay $0x3  }
0x6e: {  	v5 =	vadd.f32 $1.000000000e+00, v5  }
0x6f: {  	v7 =	vshra.s32 v4, $0x1;
	v6 =	vadd.f32 $1.000000000e+00, v6  }
0x70: {  	vm0 =	veq.s32 v7, $0x0;
	v5 =	vmul.f32 $5.000000000e-01, v5  }
0x71: {  	v8 =	vsel vm0, $0x44FFE000, v1;
	v6 =	vmul.f32 $5.000000000e-01, v6  }
0x72: {  	v5 =	vmul.f32 v8, v5  }
0x73: {  	v6 =	vmul.f32 v8, v6  }
0x74: {  	v5 =	vmax.f32 v5, $0.0e+00  }
0x75: {  	v6 =	vmax.f32 v6, $0.0e+00;
	v5 =	vmin.f32 v8, v5  }
0x76: {  	v9 =	vmul.u32 $0xC00000, v4;
	v6 =	vmin.f32 v8, v6;
	v8 =	vtrunc.f32 v5  }
0x77: {  	vm1 =	veq.s32 v4, $0x3;
	v4 =	vtrunc.f32 v6;
	v8 =	vcvt.f32.s32 v8  }
0x78: {  	v10 =	vsel vm1, $0xFF700000, v0;
	v4 =	vcvt.f32.s32 v4  }
0x79: {  	v9 =	vadd.s32 v9, v10;
	v10 =	vcvt.s32.f32 v8  }
0x7a: {  	v11 =	vsel vm0, $0x7FF, v2;
	v12 =	vcvt.s32.f32 v4;
	v13 =	vadd.s32 $0x1, v4  }
0x7b: {  	v7 =	vsub.s32 $0xB, v7;
	vm15 =	vlt.s32 v13, v11;
	v5 =	vsub.f32 v5, v10  }
0x7c: {  	s17 =	simm.s32 $0x4400;
	v10 =	vshll.u32 v4, v7;
	v6 =	vsub.f32 v6, v12;
	v11 =	vsel vm15, v13, v11  }
0x7d: {  	s25 =	simm.s32 $0x4800;
	v4 =	vsel vm0, $0x400000, v3;
	v7 =	vshll.u32 v11, v7;
	[tilespmem:s17+$0x0] =	vst v5;
	v5 =	vadd.s32 v8, v9  }
0x7e: {  	s12 =	simm.s32 $0x4C00;
	s13 =	simm.s32 $0x4810;
	s11 =	simm.s32 $0x4C10;
	v8 =	vshll.u32 v4, $0x1;
	[tilespmem:s25+$0x0] =	vst v6;
	v6 =	vadd.s32 v10, v5;
	v5 =	vadd.s32 v7, v5  }
0x7f: {  	s16 =	sand.u32 $0x3F0, s0;
	s3 =	simm.s32 $0x10;
	[tilespmem:s12+$0x0] =	vst v6;
	v7 =	vadd.s32 v8, v6;
	v8 =	vadd.s32 v8, v5;
	s12 =	simm.s32 $0x4410  }
.LBB2_7:
0x80: {  	[tilespmem:s16+$0x6000] =	vst v8;
	s0 =	sadd.s32 $0x10, s0;
	s30 =	sadd.s32 $0x10, s30;
	s31 =	sadd.s32 $0x10, s31  }
0x81: {  	p0 =	sne.s32 s3, $0x3F0;
	v6 =	vadd.s32 v4, v6;
	v4 =	vadd.s32 v4, v5;
	s17 =	smov.u32 s3;
	s3 =	sadd.s32 $0x10, s3;
	[tilespmem:s16+$0x5400] =	vst v7  }
0x82: {  	s25 =	smov.u32 s11;
	[tilespmem:s16+$0x5C00] =	vst v4  }
0x83: {  	[tilespmem:s16+$0x5800] =	vst v5  }
0x84: {  	[tilespmem:s16+$0x5000] =	vst v6  }
0x85: {  	v4 =	vld [tilespmem:s31+$0x0]  }
0x86: {  	v5 =	vld [tilespmem:s0+$0x0]  }
0x87: {  	v6 =	vld [tilespmem:s30+$0x0];
	_ =	sdelay $0x2  }
0x88: {  	v7 =	vshra.s32 v4, $0x1;
	v8 =	vmul.u32 $0xC00000, v4;
	vm1 =	veq.s32 v4, $0x3  }
0x89: {  	vm0 =	veq.s32 v7, $0x0;
	v4 =	vadd.f32 $1.000000000e+00, v5;
	v5 =	vsel vm1, $0xFF700000, v0  }
0x8a: {  	v6 =	vadd.f32 $1.000000000e+00, v6;
	v5 =	vadd.s32 v8, v5  }
0x8b: {  	v4 =	vmul.f32 $5.000000000e-01, v4  }
0x8c: {  	v8 =	vsel vm0, $0x44FFE000, v1;
	v6 =	vmul.f32 $5.000000000e-01, v6  }
0x8d: {  	v4 =	vmul.f32 v8, v4  }
0x8e: {  	v6 =	vmul.f32 v8, v6  }
0x8f: {  	v4 =	vmax.f32 v4, $0.0e+00  }
0x90: {  	v4 =	vmin.f32 v8, v4;
	v6 =	vmax.f32 v6, $0.0e+00  }
0x91: {  	v6 =	vmin.f32 v8, v6;
	v8 =	vtrunc.f32 v4  }
0x92: {  	v8 =	vcvt.f32.s32 v8;
	v9 =	vtrunc.f32 v6  }
0x93: {  	v9 =	vcvt.f32.s32 v9  }
0x94: {  	v7 =	vsub.s32 $0xB, v7;
	v11 =	vsel vm0, $0x7FF, v2;
	v10 =	vcvt.s32.f32 v8  }
0x95: {  	v12 =	vcvt.s32.f32 v9;
	v13 =	vadd.s32 $0x1, v9;
	v9 =	vshll.u32 v9, v7  }
.Ltmp2:
0x96: {  	v4 =	vsub.f32 v4, v10;
	vm1 =	vlt.s32 v13, v11;
	(pc) =	sbr.rel @p0 .LBB2_7-.Ltmp2, $4  }
0x97: {  	v6 =	vsub.f32 v6, v12;
	v10 =	vsel vm1, v13, v11  }
0x98: {  	v5 =	vadd.s32 v8, v5;
	[tilespmem:s12+$0x0] =	vst v4;
	v4 =	vsel vm0, $0x400000, v3;
	v7 =	vshll.u32 v10, v7  }
0x99: {  	s11 =	sadd.s32 $0x10, s11;
	[tilespmem:s13+$0x0] =	vst v6;
	v6 =	vadd.s32 v9, v5;
	v5 =	vadd.s32 v7, v5;
	v8 =	vshll.u32 v4, $0x1  }
0x9a: {  	s16 =	sand.u32 $0x3F0, s17;
	s12 =	sadd.s32 $0x10, s12;
	s13 =	sadd.s32 $0x10, s13;
	[tilespmem:s25+$0x0] =	vst v6;
	v7 =	vadd.s32 v8, v6;
	v8 =	vadd.s32 v8, v5  }
0x9b: {  	[tilespmem:s16+$0x6000] =	vst v8  }
0x9c: {  	[tilespmem:s16+$0x5400] =	vst v7  }
0x9d: {  	v63 =	vadd.s32 v4, v5;
	[tilespmem:s16+$0x5800] =	vst v5  }
0x9e: {  	v4 =	vadd.s32 v4, v6;
	[tilespmem:s16+$0x5C00] =	vst v63  }
0x9f: {  	s0 =	simm.s32 $0x200;
	s3 =	simm.s32 $0x6400;
	s11 =	simm.s32 $0x4C00;
	[tilespmem:s16+$0x5000] =	vst v4  }
.LBB2_9:
0xa0: {  	[tilespmem:s3], [sflag:$0x2] =	stream.indirect.gather [hbm4b:s6+s19], $0x1, s11, s19, $0xb8;
	[tilespmem:$0x8800] =	vst v63  }
0xa1: {  	s3 =	smov.u32 s0;
	p0 =	sne.s32 s0, $0x5E00  }
.Ltmp3:
0xa2: {  	s0 =	sadd.s32 $0x200, s0;
	(pc) =	sbr.rel @p0 .LBB2_9-.Ltmp3, $3  }
0xa3: {  	_ =	sdelay $0x1  }
0xa4: {  	s11 =	sshra.s32 s3, $0x2  }
0xa5: {  	s3 =	sadd.s32 $0x6400, s11;
	s11 =	sadd.s32 $0x4C00, s11  }
0xa6: {  	[tilespmem:s3], [sflag:$0x2] =	stream.indirect.gather [hbm4b:s6+s19], $0x1, s11, s19, $0xb8;
	[tilespmem:$0x8800] =	vst v63  }
0xa7: {  	_ =	swait.ge [sflag:s20], $0x1800  }
0xa8: {  	[sflag:s20] =	ssyncset.done $0x0  }
0xa9: {  	s0 =	simm.s32 $0x0;
	s30 =	simm.s32 $0x2C00;
	[sflag:s20] =	ssyncadd.s32 $0xFFFFE800  }
0xaa: {  	s16 =	sand.u32 $0x3F0, s0;
	v4 =	vld [tilespmem:s30+$0x0]  }
0xab: {  	v5 =	vld [tilespmem:s16+$0x3800];
	_ =	sdelay $0x1  }
0xac: {  	s31 =	simm.s32 $0xC00  }
0xad: {  	v6 =	vld [tilespmem:s31+$0x0]  }
0xae: {  	v7 =	vshll.u32 v4, $0x10  }
0xaf: {  	v4 =	vand.u32 $0xFFFF0000, v4;
	v8 =	vshll.u32 v5, $0x10;
	v5 =	vand.u32 $0xFFFF0000, v5  }
0xb0: {  	v4 =	vsub.f32 v4, v7;
	v5 =	vsub.f32 v5, v8;
	_ =	sdelay $0x1  }
0xb1: {  	s0 =	simm.s32 $0x1000;
	v4 =	vmul.f32 v4, v6;
	v5 =	vmul.f32 v5, v6  }
0xb2: {  	v9 =	vld [tilespmem:s0+$0x0]  }
0xb3: {  	v4 =	vadd.f32 v7, v4;
	v5 =	vadd.f32 v8, v5;
	_ =	sdelay $0x1  }
0xb4: {  	v5 =	vsub.f32 v5, v4;
	_ =	sdelay $0x1  }
0xb5: {  	v5 =	vmul.f32 v5, v9;
	_ =	sdelay $0x1  }
0xb6: {  	v4 =	vadd.f32 v5, v4  }
0xb7: {  	s17 =	simm.s32 $0x7C00  }
0xb8: {  	[tilespmem:s17+$0x0] =	vst v4  }
0xb9: {  	v4 =	vld [tilespmem:s16+$0x3000]  }
0xba: {  	v5 =	vld [tilespmem:s16+$0x3C00];
	_ =	sdelay $0x3  }
0xbb: {  	v7 =	vshll.u32 v4, $0x10  }
0xbc: {  	v4 =	vand.u32 $0xFFFF0000, v4;
	v62 =	vshll.u32 v5, $0x10;
	v5 =	vand.u32 $0xFFFF0000, v5  }
0xbd: {  	v4 =	vsub.f32 v4, v7;
	v5 =	vsub.f32 v5, v62;
	_ =	sdelay $0x1  }
0xbe: {  	v4 =	vmul.f32 v4, v6;
	v5 =	vmul.f32 v5, v6;
	_ =	sdelay $0x1  }
0xbf: {  	v4 =	vadd.f32 v7, v4;
	v5 =	vadd.f32 v62, v5;
	_ =	sdelay $0x1  }
0xc0: {  	v5 =	vsub.f32 v5, v4;
	_ =	sdelay $0x1  }
0xc1: {  	v5 =	vmul.f32 v5, v9;
	_ =	sdelay $0x1  }
0xc2: {  	v4 =	vadd.f32 v5, v4  }
0xc3: {  	s25 =	simm.s32 $0x8000  }
0xc4: {  	[tilespmem:s25+$0x0] =	vst v4  }
0xc5: {  	v4 =	vld [tilespmem:s16+$0x3400]  }
0xc6: {  	v5 =	vld [tilespmem:s16+$0x4000];
	_ =	sdelay $0x3  }
0xc7: {  	v7 =	vshll.u32 v4, $0x10  }
0xc8: {  	v4 =	vand.u32 $0xFFFF0000, v4;
	v63 =	vshll.u32 v5, $0x10;
	v5 =	vand.u32 $0xFFFF0000, v5  }
0xc9: {  	v4 =	vsub.f32 v4, v7;
	v5 =	vsub.f32 v5, v63;
	_ =	sdelay $0x1  }
0xca: {  	v4 =	vmul.f32 v4, v6;
	v5 =	vmul.f32 v5, v6;
	_ =	sdelay $0x1  }
0xcb: {  	v4 =	vadd.f32 v7, v4;
	v5 =	vadd.f32 v63, v5;
	_ =	sdelay $0x1  }
0xcc: {  	v5 =	vsub.f32 v5, v4;
	_ =	sdelay $0x1  }
0xcd: {  	s3 =	simm.s32 $0x8400;
	s11 =	simm.s32 $0x10;
	v5 =	vmul.f32 v5, v9  }
0xce: {  	s12 =	simm.s32 $0x7C10;
	s13 =	simm.s32 $0x8010;
	s17 =	simm.s32 $0x8410  }
.LBB2_11:
0xcf: {  	v4 =	vadd.f32 v5, v4;
	s31 =	sadd.s32 $0x10, s31;
	s0 =	sadd.s32 $0x10, s0;
	s30 =	sadd.s32 $0x10, s30  }
0xd0: {  	p0 =	sne.s32 s11, $0x3F0;
	s16 =	smov.u32 s11;
	s11 =	sadd.s32 $0x10, s11  }
0xd1: {  	[tilespmem:s3+$0x0] =	vst v4;
	s3 =	smov.u32 s17  }
0xd2: {  	s25 =	sand.u32 $0x3F0, s16;
	v4 =	vld [tilespmem:s30+$0x0]  }
0xd3: {  	v5 =	vld [tilespmem:s25+$0x3800];
	_ =	sdelay $0x1  }
0xd4: {  	v6 =	vld [tilespmem:s31+$0x0];
	_ =	sdelay $0x1  }
0xd5: {  	v7 =	vshll.u32 v4, $0x10;
	v4 =	vand.u32 $0xFFFF0000, v4  }
0xd6: {  	v8 =	vshll.u32 v5, $0x10;
	v5 =	vand.u32 $0xFFFF0000, v5;
	v4 =	vsub.f32 v4, v7  }
0xd7: {  	v5 =	vsub.f32 v5, v8  }
0xd8: {  	v4 =	vmul.f32 v4, v6  }
0xd9: {  	v5 =	vmul.f32 v5, v6  }
0xda: {  	v9 =	vld [tilespmem:s0+$0x0]  }
0xdb: {  	v4 =	vadd.f32 v7, v4;
	v5 =	vadd.f32 v8, v5;
	_ =	sdelay $0x1  }
0xdc: {  	v5 =	vsub.f32 v5, v4;
	_ =	sdelay $0x1  }
0xdd: {  	v5 =	vmul.f32 v5, v9;
	_ =	sdelay $0x1  }
0xde: {  	v4 =	vadd.f32 v5, v4;
	_ =	sdelay $0x1  }
0xdf: {  	[tilespmem:s12+$0x0] =	vst v4  }
0xe0: {  	v4 =	vld [tilespmem:s25+$0x3000]  }
0xe1: {  	v5 =	vld [tilespmem:s25+$0x3C00];
	_ =	sdelay $0x3  }
0xe2: {  	v7 =	vshll.u32 v4, $0x10;
	v4 =	vand.u32 $0xFFFF0000, v4  }
0xe3: {  	v8 =	vshll.u32 v5, $0x10;
	v5 =	vand.u32 $0xFFFF0000, v5;
	v4 =	vsub.f32 v4, v7  }
0xe4: {  	v5 =	vsub.f32 v5, v8  }
0xe5: {  	v4 =	vmul.f32 v4, v6  }
0xe6: {  	v5 =	vmul.f32 v5, v6  }
0xe7: {  	v4 =	vadd.f32 v7, v4  }
0xe8: {  	v5 =	vadd.f32 v8, v5;
	_ =	sdelay $0x1  }
0xe9: {  	v5 =	vsub.f32 v5, v4;
	_ =	sdelay $0x1  }
0xea: {  	v5 =	vmul.f32 v5, v9;
	_ =	sdelay $0x1  }
0xeb: {  	v4 =	vadd.f32 v5, v4;
	_ =	sdelay $0x1  }
0xec: {  	[tilespmem:s13+$0x0] =	vst v4  }
0xed: {  	v4 =	vld [tilespmem:s25+$0x3400]  }
0xee: {  	v5 =	vld [tilespmem:s25+$0x4000];
	_ =	sdelay $0x3  }
0xef: {  	v7 =	vshll.u32 v4, $0x10;
	v4 =	vand.u32 $0xFFFF0000, v4  }
0xf0: {  	v8 =	vshll.u32 v5, $0x10;
	v5 =	vand.u32 $0xFFFF0000, v5;
	v4 =	vsub.f32 v4, v7  }
0xf1: {  	v5 =	vsub.f32 v5, v8  }
0xf2: {  	v4 =	vmul.f32 v4, v6  }
0xf3: {  	v5 =	vmul.f32 v5, v6  }
0xf4: {  	v4 =	vadd.f32 v7, v4  }
0xf5: {  	v5 =	vadd.f32 v8, v5  }
.Ltmp4:
0xf6: {  	(pc) =	sbr.rel @p0 .LBB2_11-.Ltmp4, $3  }
0xf7: {  	v5 =	vsub.f32 v5, v4;
	_ =	sdelay $0x1  }
0xf8: {  	v5 =	vmul.f32 v5, v9  }
0xf9: {  	s17 =	sadd.s32 $0x10, s17;
	s12 =	sadd.s32 $0x10, s12;
	s13 =	sadd.s32 $0x10, s13  }
0xfa: {  	s0 =	sor.u32 s9, s29  }
0xfb: {  	v4 =	vadd.f32 v5, v4;
	s11 =	sadd.s32 s10, s0  }
0xfc: {  	s11 =	sshrl.u32 s11, $0x3  }
0xfd: {  	[tilespmem:s3+$0x0] =	vst v4;
	s30 =	sadd.s32 s7, s11  }
0xfe: {  	[hbm4b:s30+s2] =	stream.linear.scatter [tilespmem:s21], [sflag:$0x3], $0x400, $0x38;
	[tilespmem:$0x8800] =	vst v63  }
0xff: {  	s31 =	sadd.s32 s14, s0;
	_ =	swait.ge [sflag:s18], $0x400  }
0x100: {  	s3 =	sshrl.u32 s31, $0x3;
	[sflag:s18] =	ssyncset.done $0x0  }
0x101: {  	s3 =	sadd.s32 s7, s3;
	[sflag:s18] =	ssyncadd.s32 $0xFFFFFC00  }
0x102: {  	[hbm4b:s3+s2] =	stream.linear.scatter [tilespmem:s22], [sflag:$0x3], $0x400, $0x38;
	[tilespmem:$0x8800] =	vst v63  }
0x103: {  	s0 =	sadd.s32 s15, s0;
	_ =	swait.ge [sflag:s18], $0x400  }
0x104: {  	p0 =	seq.s32 s26, $0xF;
	s0 =	sshrl.u32 s0, $0x3;
	[sflag:s18] =	ssyncset.done $0x0  }
.Ltmp5:
0x105: {  	s0 =	sadd.s32 s7, s0;
	[sflag:s18] =	ssyncadd.s32 $0xFFFFFC00;
	(pc) =	sbr.rel @p0 .LBB2_18-.Ltmp5, $4  }
0x106: {  	[hbm4b:s0+s2] =	stream.linear.scatter [tilespmem:s23], [sflag:$0x3], $0x400, $0x38;
	[tilespmem:$0x8800] =	vst v63  }
0x107: {  	_ =	swait.ge [sflag:s18], $0x400  }
0x108: {  	[sflag:s18] =	ssyncset.done $0x0  }
0x109: {  	[sflag:s18] =	ssyncadd.s32 $0xFFFFFC00  }
0x10a: {  	s0 =	rddreg [dreg:$0x6]  }
0x10b: {  	s0 =	sadd.s32 s29, s0  }
0x10c: {  	s3 =	sshrl.u32 s0, $0x3  }
0x10d: {  	s0 =	simm.s32 $0x0;
	s11 =	sadd.s32 s4, s3  }
0x10e: {  	[tilespmem:s0], [sflag:$0x3] =	stream.linear.gather [hbm4b:s11+s0], $0x400, $0x38;
	[tilespmem:$0x8800] =	vst v63  }
0x10f: {  	_ =	swait.ge [sflag:s18], $0x400  }
0x110: {  	[sflag:s18] =	ssyncset.done $0x0  }
0x111: {  	s29 =	simm.s32 $0x400;
	s17 =	sadd.s32 s1, s3;
	[sflag:s18] =	ssyncadd.s32 $0xFFFFFC00  }
0x112: {  	[tilespmem:s29], [sflag:$0x3] =	stream.linear.gather [hbm4b:s17+s0], $0x400, $0x38;
	[tilespmem:$0x8800] =	vst v63  }
0x113: {  	_ =	swait.ge [sflag:s18], $0x400  }
0x114: {  	[sflag:s18] =	ssyncset.done $0x0  }
0x115: {  	s30 =	simm.s32 $0x800;
	s3 =	sadd.s32 s5, s3;
	[sflag:s18] =	ssyncadd.s32 $0xFFFFFC00  }
0x116: {  	[tilespmem:s30], [sflag:$0x3] =	stream.linear.gather [hbm4b:s3+s0], $0x400, $0x38;
	[tilespmem:$0x8800] =	vst v63  }
0x117: {  	_ =	swait.ge [sflag:s18], $0x400  }
0x118: {  	[sflag:s18] =	ssyncset.done $0x0  }
0x119: {  	[sflag:s18] =	ssyncadd.s32 $0xFFFFFC00  }
0x11a: {  	v4 =	vld [tilespmem:s30+$0x0]  }
0x11b: {  	v5 =	vld [tilespmem:s0+$0x0]  }
0x11c: {  	v6 =	vld [tilespmem:s29+$0x0];
	_ =	sdelay $0x3  }
0x11d: {  	v5 =	vadd.f32 $1.000000000e+00, v5  }
0x11e: {  	v7 =	vshra.s32 v4, $0x1;
	v6 =	vadd.f32 $1.000000000e+00, v6  }
0x11f: {  	vm0 =	veq.s32 v7, $0x0;
	v5 =	vmul.f32 $5.000000000e-01, v5  }
0x120: {  	v8 =	vsel vm0, $0x44FFE000, v1;
	v6 =	vmul.f32 $5.000000000e-01, v6  }
0x121: {  	v5 =	vmul.f32 v8, v5  }
0x122: {  	v6 =	vmul.f32 v8, v6  }
0x123: {  	v5 =	vmax.f32 v5, $0.0e+00  }
0x124: {  	v6 =	vmax.f32 v6, $0.0e+00;
	v5 =	vmin.f32 v8, v5  }
0x125: {  	v9 =	vmul.u32 $0xC00000, v4;
	v6 =	vmin.f32 v8, v6;
	v8 =	vtrunc.f32 v5  }
0x126: {  	vm1 =	veq.s32 v4, $0x3;
	v4 =	vtrunc.f32 v6;
	v8 =	vcvt.f32.s32 v8  }
0x127: {  	v10 =	vsel vm1, $0xFF700000, v0;
	v4 =	vcvt.f32.s32 v4  }
0x128: {  	v9 =	vadd.s32 v9, v10;
	v10 =	vcvt.s32.f32 v8  }
0x129: {  	v11 =	vsel vm0, $0x7FF, v2;
	v12 =	vcvt.s32.f32 v4;
	v13 =	vadd.s32 $0x1, v4  }
0x12a: {  	v7 =	vsub.s32 $0xB, v7;
	vm15 =	vlt.s32 v13, v11;
	v5 =	vsub.f32 v5, v10  }
0x12b: {  	s25 =	simm.s32 $0xC00;
	v10 =	vshll.u32 v4, v7;
	v6 =	vsub.f32 v6, v12;
	v11 =	vsel vm15, v13, v11  }
0x12c: {  	s31 =	simm.s32 $0x1000;
	v4 =	vsel vm0, $0x400000, v3;
	v7 =	vshll.u32 v11, v7;
	[tilespmem:s25+$0x0] =	vst v5;
	v5 =	vadd.s32 v8, v9  }
0x12d: {  	s12 =	simm.s32 $0x1400;
	s13 =	simm.s32 $0x1010;
	s16 =	sand.u32 $0x3F0, s0;
	v8 =	vshll.u32 v4, $0x1;
	[tilespmem:s31+$0x0] =	vst v6;
	v6 =	vadd.s32 v10, v5;
	v5 =	vadd.s32 v7, v5  }
0x12e: {  	s11 =	simm.s32 $0x1410;
	s3 =	simm.s32 $0x10;
	[tilespmem:s12+$0x0] =	vst v6;
	v7 =	vadd.s32 v8, v6;
	v8 =	vadd.s32 v8, v5;
	s12 =	simm.s32 $0xC10  }
.LBB2_14:
0x12f: {  	[tilespmem:s16+$0x2800] =	vst v8;
	s0 =	sadd.s32 $0x10, s0;
	s29 =	sadd.s32 $0x10, s29;
	s30 =	sadd.s32 $0x10, s30  }
0x130: {  	p0 =	sne.s32 s3, $0x3F0;
	v6 =	vadd.s32 v4, v6;
	v4 =	vadd.s32 v4, v5;
	s17 =	smov.u32 s3;
	s3 =	sadd.s32 $0x10, s3;
	[tilespmem:s16+$0x1C00] =	vst v7  }
0x131: {  	s25 =	smov.u32 s11;
	[tilespmem:s16+$0x2400] =	vst v4  }
0x132: {  	[tilespmem:s16+$0x2000] =	vst v5  }
0x133: {  	[tilespmem:s16+$0x1800] =	vst v6  }
0x134: {  	v4 =	vld [tilespmem:s30+$0x0]  }
0x135: {  	v5 =	vld [tilespmem:s0+$0x0]  }
0x136: {  	v6 =	vld [tilespmem:s29+$0x0];
	_ =	sdelay $0x2  }
0x137: {  	v7 =	vshra.s32 v4, $0x1;
	v8 =	vmul.u32 $0xC00000, v4;
	vm1 =	veq.s32 v4, $0x3  }
0x138: {  	vm0 =	veq.s32 v7, $0x0;
	v4 =	vadd.f32 $1.000000000e+00, v5;
	v5 =	vsel vm1, $0xFF700000, v0  }
0x139: {  	v6 =	vadd.f32 $1.000000000e+00, v6;
	v5 =	vadd.s32 v8, v5  }
0x13a: {  	v4 =	vmul.f32 $5.000000000e-01, v4  }
0x13b: {  	v8 =	vsel vm0, $0x44FFE000, v1;
	v6 =	vmul.f32 $5.000000000e-01, v6  }
0x13c: {  	v4 =	vmul.f32 v8, v4  }
0x13d: {  	v6 =	vmul.f32 v8, v6  }
0x13e: {  	v4 =	vmax.f32 v4, $0.0e+00  }
0x13f: {  	v4 =	vmin.f32 v8, v4;
	v6 =	vmax.f32 v6, $0.0e+00  }
0x140: {  	v6 =	vmin.f32 v8, v6;
	v8 =	vtrunc.f32 v4  }
0x141: {  	v8 =	vcvt.f32.s32 v8;
	v9 =	vtrunc.f32 v6  }
0x142: {  	v9 =	vcvt.f32.s32 v9  }
0x143: {  	v7 =	vsub.s32 $0xB, v7;
	v11 =	vsel vm0, $0x7FF, v2;
	v10 =	vcvt.s32.f32 v8  }
0x144: {  	v12 =	vcvt.s32.f32 v9;
	v13 =	vadd.s32 $0x1, v9;
	v9 =	vshll.u32 v9, v7  }
.Ltmp6:
0x145: {  	v4 =	vsub.f32 v4, v10;
	vm1 =	vlt.s32 v13, v11;
	(pc) =	sbr.rel @p0 .LBB2_14-.Ltmp6, $4  }
0x146: {  	v6 =	vsub.f32 v6, v12;
	v10 =	vsel vm1, v13, v11  }
0x147: {  	v5 =	vadd.s32 v8, v5;
	[tilespmem:s12+$0x0] =	vst v4;
	v4 =	vsel vm0, $0x400000, v3;
	v7 =	vshll.u32 v10, v7  }
0x148: {  	s11 =	sadd.s32 $0x10, s11;
	[tilespmem:s13+$0x0] =	vst v6;
	v6 =	vadd.s32 v9, v5;
	v5 =	vadd.s32 v7, v5;
	v8 =	vshll.u32 v4, $0x1  }
0x149: {  	s16 =	sand.u32 $0x3F0, s17;
	s12 =	sadd.s32 $0x10, s12;
	s13 =	sadd.s32 $0x10, s13;
	[tilespmem:s25+$0x0] =	vst v6;
	v7 =	vadd.s32 v8, v6;
	v8 =	vadd.s32 v8, v5  }
0x14a: {  	[tilespmem:s16+$0x2800] =	vst v8  }
0x14b: {  	[tilespmem:s16+$0x1C00] =	vst v7  }
0x14c: {  	v63 =	vadd.s32 v4, v5;
	[tilespmem:s16+$0x2000] =	vst v5  }
0x14d: {  	v4 =	vadd.s32 v4, v6;
	[tilespmem:s16+$0x2400] =	vst v63  }
0x14e: {  	s0 =	simm.s32 $0x200;
	s3 =	simm.s32 $0x2C00;
	s11 =	simm.s32 $0x1400;
	[tilespmem:s16+$0x1800] =	vst v4  }
.LBB2_16:
0x14f: {  	[tilespmem:s3], [sflag:$0x1] =	stream.indirect.gather [hbm4b:s6+s19], $0x1, s11, s19, $0xb8;
	[tilespmem:$0x8800] =	vst v63  }
0x150: {  	s3 =	smov.u32 s0;
	p0 =	sne.s32 s0, $0x5E00  }
.Ltmp7:
0x151: {  	s0 =	sadd.s32 $0x200, s0;
	(pc) =	sbr.rel @p0 .LBB2_16-.Ltmp7, $3  }
0x152: {  	_ =	sdelay $0x1  }
0x153: {  	s11 =	sshra.s32 s3, $0x2  }
0x154: {  	s3 =	sadd.s32 $0x2C00, s11;
	s11 =	sadd.s32 $0x1400, s11  }
0x155: {  	[tilespmem:s3], [sflag:$0x1] =	stream.indirect.gather [hbm4b:s6+s19], $0x1, s11, s19, $0xb8;
	[tilespmem:$0x8800] =	vst v63  }
.LBB2_18:
0x156: {  	_ =	swait.ge [sflag:s24], $0x1800  }
0x157: {  	[sflag:s24] =	ssyncset.done $0x0  }
0x158: {  	s0 =	simm.s32 $0x0;
	s29 =	simm.s32 $0x6400;
	[sflag:s24] =	ssyncadd.s32 $0xFFFFE800  }
0x159: {  	s3 =	sand.u32 $0x3F0, s0;
	v4 =	vld [tilespmem:s29+$0x0]  }
0x15a: {  	v5 =	vld [tilespmem:s3+$0x7000];
	_ =	sdelay $0x1  }
0x15b: {  	s30 =	simm.s32 $0x4400  }
0x15c: {  	v6 =	vld [tilespmem:s30+$0x0]  }
0x15d: {  	v7 =	vshll.u32 v4, $0x10  }
0x15e: {  	v4 =	vand.u32 $0xFFFF0000, v4;
	v8 =	vshll.u32 v5, $0x10;
	v5 =	vand.u32 $0xFFFF0000, v5  }
0x15f: {  	v4 =	vsub.f32 v4, v7;
	v5 =	vsub.f32 v5, v8;
	_ =	sdelay $0x1  }
0x160: {  	s0 =	simm.s32 $0x4800;
	v4 =	vmul.f32 v4, v6;
	v5 =	vmul.f32 v5, v6  }
0x161: {  	v9 =	vld [tilespmem:s0+$0x0]  }
0x162: {  	v4 =	vadd.f32 v7, v4;
	v5 =	vadd.f32 v8, v5;
	_ =	sdelay $0x1  }
0x163: {  	v5 =	vsub.f32 v5, v4;
	_ =	sdelay $0x1  }
0x164: {  	v5 =	vmul.f32 v5, v9;
	_ =	sdelay $0x1  }
0x165: {  	v4 =	vadd.f32 v5, v4  }
0x166: {  	s11 =	simm.s32 $0x7C00  }
0x167: {  	[tilespmem:s11+$0x0] =	vst v4  }
0x168: {  	v4 =	vld [tilespmem:s3+$0x6800]  }
0x169: {  	v5 =	vld [tilespmem:s3+$0x7400];
	_ =	sdelay $0x3  }
0x16a: {  	v7 =	vshll.u32 v4, $0x10  }
0x16b: {  	v4 =	vand.u32 $0xFFFF0000, v4;
	v62 =	vshll.u32 v5, $0x10;
	v5 =	vand.u32 $0xFFFF0000, v5  }
0x16c: {  	v4 =	vsub.f32 v4, v7;
	v5 =	vsub.f32 v5, v62;
	_ =	sdelay $0x1  }
0x16d: {  	v4 =	vmul.f32 v4, v6;
	v5 =	vmul.f32 v5, v6;
	_ =	sdelay $0x1  }
0x16e: {  	v4 =	vadd.f32 v7, v4;
	v5 =	vadd.f32 v62, v5;
	_ =	sdelay $0x1  }
0x16f: {  	v5 =	vsub.f32 v5, v4;
	_ =	sdelay $0x1  }
0x170: {  	v5 =	vmul.f32 v5, v9;
	_ =	sdelay $0x1  }
0x171: {  	v4 =	vadd.f32 v5, v4  }
0x172: {  	s31 =	simm.s32 $0x8000  }
0x173: {  	[tilespmem:s31+$0x0] =	vst v4  }
0x174: {  	v4 =	vld [tilespmem:s3+$0x6C00]  }
0x175: {  	v5 =	vld [tilespmem:s3+$0x7800];
	_ =	sdelay $0x3  }
0x176: {  	v7 =	vshll.u32 v4, $0x10  }
0x177: {  	v4 =	vand.u32 $0xFFFF0000, v4;
	v63 =	vshll.u32 v5, $0x10;
	v5 =	vand.u32 $0xFFFF0000, v5  }
0x178: {  	v4 =	vsub.f32 v4, v7;
	v5 =	vsub.f32 v5, v63;
	_ =	sdelay $0x1  }
0x179: {  	v4 =	vmul.f32 v4, v6;
	v5 =	vmul.f32 v5, v6;
	_ =	sdelay $0x1  }
0x17a: {  	v4 =	vadd.f32 v7, v4;
	v5 =	vadd.f32 v63, v5;
	_ =	sdelay $0x1  }
0x17b: {  	v5 =	vsub.f32 v5, v4;
	_ =	sdelay $0x1  }
0x17c: {  	s12 =	simm.s32 $0x7C10;
	s13 =	simm.s32 $0x8010;
	v5 =	vmul.f32 v5, v9  }
0x17d: {  	s17 =	simm.s32 $0x8410;
	s11 =	simm.s32 $0x10;
	s3 =	simm.s32 $0x8400  }
.LBB2_19:
0x17e: {  	v4 =	vadd.f32 v5, v4;
	s30 =	sadd.s32 $0x10, s30;
	s0 =	sadd.s32 $0x10, s0;
	s29 =	sadd.s32 $0x10, s29  }
0x17f: {  	p0 =	sne.s32 s11, $0x3F0;
	s16 =	smov.u32 s11;
	s11 =	sadd.s32 $0x10, s11  }
0x180: {  	[tilespmem:s3+$0x0] =	vst v4;
	s3 =	smov.u32 s17  }
0x181: {  	s25 =	sand.u32 $0x3F0, s16;
	v4 =	vld [tilespmem:s29+$0x0]  }
0x182: {  	v5 =	vld [tilespmem:s25+$0x7000];
	_ =	sdelay $0x1  }
0x183: {  	v6 =	vld [tilespmem:s30+$0x0];
	_ =	sdelay $0x1  }
0x184: {  	v7 =	vshll.u32 v4, $0x10;
	v4 =	vand.u32 $0xFFFF0000, v4  }
0x185: {  	v8 =	vshll.u32 v5, $0x10;
	v5 =	vand.u32 $0xFFFF0000, v5;
	v4 =	vsub.f32 v4, v7  }
0x186: {  	v5 =	vsub.f32 v5, v8  }
0x187: {  	v4 =	vmul.f32 v4, v6  }
0x188: {  	v5 =	vmul.f32 v5, v6  }
0x189: {  	v9 =	vld [tilespmem:s0+$0x0]  }
0x18a: {  	v4 =	vadd.f32 v7, v4;
	v5 =	vadd.f32 v8, v5;
	_ =	sdelay $0x1  }
0x18b: {  	v5 =	vsub.f32 v5, v4;
	_ =	sdelay $0x1  }
0x18c: {  	v5 =	vmul.f32 v5, v9;
	_ =	sdelay $0x1  }
0x18d: {  	v4 =	vadd.f32 v5, v4;
	_ =	sdelay $0x1  }
0x18e: {  	[tilespmem:s12+$0x0] =	vst v4  }
0x18f: {  	v4 =	vld [tilespmem:s25+$0x6800]  }
0x190: {  	v5 =	vld [tilespmem:s25+$0x7400];
	_ =	sdelay $0x3  }
0x191: {  	v7 =	vshll.u32 v4, $0x10;
	v4 =	vand.u32 $0xFFFF0000, v4  }
0x192: {  	v8 =	vshll.u32 v5, $0x10;
	v5 =	vand.u32 $0xFFFF0000, v5;
	v4 =	vsub.f32 v4, v7  }
0x193: {  	v5 =	vsub.f32 v5, v8  }
0x194: {  	v4 =	vmul.f32 v4, v6  }
0x195: {  	v5 =	vmul.f32 v5, v6  }
0x196: {  	v4 =	vadd.f32 v7, v4  }
0x197: {  	v5 =	vadd.f32 v8, v5;
	_ =	sdelay $0x1  }
0x198: {  	v5 =	vsub.f32 v5, v4;
	_ =	sdelay $0x1  }
0x199: {  	v5 =	vmul.f32 v5, v9;
	_ =	sdelay $0x1  }
0x19a: {  	v4 =	vadd.f32 v5, v4;
	_ =	sdelay $0x1  }
0x19b: {  	[tilespmem:s13+$0x0] =	vst v4  }
0x19c: {  	v4 =	vld [tilespmem:s25+$0x6C00]  }
0x19d: {  	v5 =	vld [tilespmem:s25+$0x7800];
	_ =	sdelay $0x3  }
0x19e: {  	v7 =	vshll.u32 v4, $0x10;
	v4 =	vand.u32 $0xFFFF0000, v4  }
0x19f: {  	v8 =	vshll.u32 v5, $0x10;
	v5 =	vand.u32 $0xFFFF0000, v5;
	v4 =	vsub.f32 v4, v7  }
0x1a0: {  	v5 =	vsub.f32 v5, v8  }
0x1a1: {  	v4 =	vmul.f32 v4, v6  }
0x1a2: {  	v5 =	vmul.f32 v5, v6  }
0x1a3: {  	v4 =	vadd.f32 v7, v4  }
0x1a4: {  	v5 =	vadd.f32 v8, v5  }
.Ltmp8:
0x1a5: {  	(pc) =	sbr.rel @p0 .LBB2_19-.Ltmp8, $3  }
0x1a6: {  	v5 =	vsub.f32 v5, v4;
	_ =	sdelay $0x1  }
0x1a7: {  	v5 =	vmul.f32 v5, v9  }
0x1a8: {  	s17 =	sadd.s32 $0x10, s17;
	s12 =	sadd.s32 $0x10, s12;
	s13 =	sadd.s32 $0x10, s13  }
0x1a9: {  	s0 =	sor.u32 s9, s28  }
0x1aa: {  	v4 =	vadd.f32 v5, v4;
	s11 =	sadd.s32 s10, s0  }
0x1ab: {  	s11 =	sshrl.u32 s11, $0x3  }
0x1ac: {  	[tilespmem:s3+$0x0] =	vst v4;
	s30 =	sadd.s32 s7, s11  }
0x1ad: {  	[hbm4b:s30+s2] =	stream.linear.scatter [tilespmem:s21], [sflag:$0x3], $0x400, $0x38;
	[tilespmem:$0x8800] =	vst v63  }
0x1ae: {  	s31 =	sadd.s32 s14, s0;
	_ =	swait.ge [sflag:s18], $0x400  }
0x1af: {  	s3 =	sshrl.u32 s31, $0x3;
	[sflag:s18] =	ssyncset.done $0x0  }
0x1b0: {  	s3 =	sadd.s32 s7, s3;
	[sflag:s18] =	ssyncadd.s32 $0xFFFFFC00  }
0x1b1: {  	[hbm4b:s3+s2] =	stream.linear.scatter [tilespmem:s22], [sflag:$0x3], $0x400, $0x38;
	[tilespmem:$0x8800] =	vst v63  }
0x1b2: {  	s26 =	sadd.s32 $0x1, s26;
	s0 =	sadd.s32 s15, s0;
	_ =	swait.ge [sflag:s18], $0x400  }
0x1b3: {  	p0 =	sne.s32 s26, $0x10;
	s0 =	sshrl.u32 s0, $0x3;
	[sflag:s18] =	ssyncset.done $0x0  }
.Ltmp9:
0x1b4: {  	s0 =	sadd.s32 s7, s0;
	[sflag:s18] =	ssyncadd.s32 $0xFFFFFC00;
	(pc) =	sbr.rel @p0 .LBB2_6-.Ltmp9, $4  }
0x1b5: {  	[hbm4b:s0+s2] =	stream.linear.scatter [tilespmem:s23], [sflag:$0x3], $0x400, $0x38;
	[tilespmem:$0x8800] =	vst v63  }
0x1b6: {  	_ =	swait.ge [sflag:s18], $0x400  }
0x1b7: {  	[sflag:s18] =	ssyncset.done $0x0  }
0x1b8: {  	[sflag:s18] =	ssyncadd.s32 $0xFFFFFC00  }
0x1b9: {  	s3 =	rddreg [dreg:$0x8]  }
0x1ba: {  	s0 =	rddreg [dreg:$0x7];
	s3 =	sadd.s32 $0x1, s3  }
0x1bb: {  	p0 =	sne.s32 s3, s0  }
.Ltmp10:
0x1bc: {  	_ = 	snop;
	(pc) =	sbr.rel @p0 .LBB2_1-.Ltmp10, $1  }
0x1bd: {  	_ =	sdelay $0x3  }
0x1be: {  	_ =	sfence.sel $0x180000  }
0x1bf: {  	[bflag:$0x0] =	sbarrier.arrive $0xFFFF  }
0x1c0: {  	_ =	strace $0x90000047  }
0x1c1: {  	s0 =	stileid.u32;
	[bflag:$0x2] =	sbarrier.arrive $0xFFFF  }
0x1c2: {  	p0 =	sne.s32 s0, $0x0;
	s0 =	rddreg [dreg:$0x2]  }
0x1c3: {  	s0 =	sadd.s32 @!p0 $0x100000, s0  }
0x1c4: {  	[sflag:s0] =	ssyncadd.tile.s32 @!p0 $0x1;
	_ =	shalt  }
.Lfunc_end2:
_tile_overlayer_lowered:
.L_overlay_start_2:
0x1c5: {  	(tag) =	ssettag $0x2  }
0x1c6: {  	s0 =	rddreg [dreg:$0x0];
	s2 =	stileid.u32  }
0x1c7: {  	s1 =	rddreg [dreg:$0x1];
	p0 =	sne.s32 s2, $0x0  }
0x1c8: {  	s3 =	rddreg [dreg:$0x2];
	[bflag:$0x3] =	sbarrier.arrive $0xFFFF;
	s2 =	simm.s32 @!p0 $0x1C03  }
0x1c9: {  	[timem:s3], [sflag:s2] =	dma.local @!p0 [hbm:s0], s1  }
0x1ca: {  	s0 =	simm.s32 @!p0 $0x3  }
0x1cb: {  	_ =	swait.ge @!p0 [sflag:s0], s1  }
0x1cc: {  	s1 =	ssub.s32 @!p0 $0x0, s1;
	[sflag:s0] =	ssyncset.done @!p0 $0x0  }
0x1cd: {  	[sflag:s0] =	ssyncadd.s32 @!p0 s1  }
0x1ce: {  	[bflag:$0x3] =	sbarrier.arrive $0xFFFF  }
0x1cf: {  	_ =	shalt  }

</sc_bundles>
